<compile_context>
chip_gen: v7x
topology: tpu7x:2x2x1
jax: 0.10.2.dev20260603
libtpu: 0.0.44.dev20260713+nightly
codegen_flags: <defaults>
</compile_context>

<pallas_src>
import functools

import jax
import jax.numpy as jnp
from jax import lax
from jax.experimental import pallas as pl
from jax.experimental.pallas import tpu as pltpu
from jax.experimental.pallas import tpu_sc as plsc

N_NODES = 10000
N_EDGES = 320000
D = 128

NC, NS = 2, 16
NW = NC * NS
NPAD = 10240
ROWS_PER_TILE = NPAD // NS
K = 128
EPT = N_EDGES // NW
NCHUNK = 80
KA = 64
NCHA = 160
PAD_ROW = NPAD - 1

_mesh = plsc.VectorSubcoreMesh(core_axis_name="c", subcore_axis_name="s")



NHL = 8

DEG_B = 4

_DEG_KERNEL_PARAMS = dict(
    out_type=jax.ShapeDtypeStruct((NW, NHL * NPAD), jnp.float32),
    mesh=_mesh,
    compiler_params=pltpu.CompilerParams(needs_layout_passes=False),
    scratch_types=[
        pltpu.VMEM((DEG_B, K), jnp.int32),
        pltpu.VMEM((NHL * NPAD,), jnp.float32),
    ],
)


def _deg_body(dstp_hbm, zhist_hbm, degp_hbm, idx_v, hist_v):
    c = lax.axis_index("c")
    s = lax.axis_index("s")
    wid = c * NS + s
    pltpu.sync_copy(zhist_hbm, hist_v)
    lane = lax.iota(jnp.int32, 16)
    lane8 = jnp.bitwise_and(lane, NHL - 1)
    mlo = lane < NHL
    mhi = lane >= NHL
    ones = jnp.full((16,), 1.0, jnp.float32)

    def group(j, carry):
        pltpu.sync_copy(dstp_hbm.at[wid, pl.ds(j * DEG_B, DEG_B)], idx_v)

        def chunk(q, carry2):
            for m in range(K // 16):
                v = idx_v[q, pl.ds(16 * m, 16)] * NHL + lane8
                plsc.addupdate_scatter(hist_v, [v], ones, mask=mlo)
                plsc.addupdate_scatter(hist_v, [v], ones, mask=mhi)
            return carry2

        lax.fori_loop(0, DEG_B, chunk, 0)
        return carry

    lax.fori_loop(0, NCHUNK // DEG_B, group, 0)
    pltpu.sync_copy(hist_v, degp_hbm.at[wid])


_deg_kernel = pl.kernel(_deg_body, **_DEG_KERNEL_PARAMS)



_BM = 1280


def _linear_body(x_ref, w_ref, degt_ref, g_ref):
    deg = jnp.sum(degt_ref[...], axis=1, keepdims=True) + 1.0
    dis = lax.rsqrt(deg)
    h = jnp.dot(x_ref[...], w_ref[...], preferred_element_type=jnp.float32)
    g_ref[...] = h * dis


def _linear(x_pad, W, degt):
    return pl.pallas_call(
        _linear_body,
        grid=(NPAD // _BM,),
        in_specs=[
            pl.BlockSpec((_BM, D), lambda i: (i, 0)),
            pl.BlockSpec((D, D), lambda i: (0, 0)),
            pl.BlockSpec((_BM, NW * NHL), lambda i: (i, 0)),
        ],
        out_specs=pl.BlockSpec((_BM, D), lambda i: (i, 0)),
        out_shape=jax.ShapeDtypeStruct((NPAD, D), jnp.float32),
    )(x_pad, W, degt)



_AGG_KERNEL_PARAMS = dict(
    out_type=jax.ShapeDtypeStruct((NC, NPAD, D), jnp.float32),
    mesh=_mesh,
    scratch_types=[
        pltpu.VMEM((4, KA), jnp.int32),
        pltpu.VMEM((4, KA), jnp.int32),
        pltpu.VMEM((KA,), jnp.int32),
        pltpu.VMEM((KA, D), jnp.float32),
        pltpu.VMEM((KA, D), jnp.float32),
        pltpu.VMEM((KA, D), jnp.float32),
        pltpu.VMEM((KA, D), jnp.float32),
        pltpu.VMEM_SHARED((NPAD, D), jnp.float32),
        pltpu.SemaphoreType.DMA,
        pltpu.SemaphoreType.DMA,
        pltpu.SemaphoreType.DMA,
        pltpu.SemaphoreType.DMA,
        pltpu.SemaphoreType.DMA,
        pltpu.SemaphoreType.DMA,
        pltpu.SemaphoreType.DMA,
        pltpu.SemaphoreType.DMA,
    ],
)


def _agg_body(g_hbm, srcp_hbm, dstp_hbm, zacc_hbm, pad_hbm, accp_hbm,
              sidx, didx, padv, r0, r1, r2, r3, acc_sh,
              gs0, gs1, gs2, gs3, ss0, ss1, ss2, ss3):
    c = lax.axis_index("c")
    s = lax.axis_index("s")
    wid = c * NS + s
    rows = [r0, r1, r2, r3]
    gsem = [gs0, gs1, gs2, gs3]
    ssem = [ss0, ss1, ss2, ss3]
    pltpu.sync_copy(zacc_hbm, acc_sh.at[pl.ds(s * ROWS_PER_TILE, ROWS_PER_TILE)])
    plsc.subcore_barrier()

    pltpu.sync_copy(pad_hbm, padv)
    for b in range(4):
        pltpu.async_copy(rows[b], acc_sh.at[padv], ssem[b], add=True)

    def body(t, carry):
        j0 = 4 * t
        pltpu.sync_copy(srcp_hbm.at[wid, pl.ds(j0, 4)], sidx)
        gd = []
        for b in range(4):
            pltpu.make_async_copy(rows[b], acc_sh.at[padv], ssem[b]).wait()
            gd.append(pltpu.async_copy(g_hbm.at[sidx.at[b]], rows[b],
                                       gsem[b]))
        pltpu.sync_copy(dstp_hbm.at[wid, pl.ds(j0, 4)], didx)
        for b in range(4):
            gd[b].wait()
            pltpu.async_copy(rows[b], acc_sh.at[didx.at[b]], ssem[b],
                             add=True)
        return carry

    lax.fori_loop(0, NCHA // 4, body, 0)
    for b in range(4):
        pltpu.make_async_copy(rows[b], acc_sh.at[padv], ssem[b]).wait()
    plsc.subcore_barrier()
    off = s * ROWS_PER_TILE
    pltpu.sync_copy(acc_sh.at[pl.ds(off, ROWS_PER_TILE)],
                    accp_hbm.at[c, pl.ds(off, ROWS_PER_TILE)])


_agg_kernel = pl.kernel(_agg_body, **_AGG_KERNEL_PARAMS)



def _combine_body(accp_ref, g_ref, degt_ref, b_ref, out_ref):
    deg = jnp.sum(degt_ref[...], axis=1, keepdims=True) + 1.0
    dis = lax.rsqrt(deg)
    total = accp_ref[0] + accp_ref[1] + g_ref[...]
    out_ref[...] = total * dis + b_ref[...]


def _combine(accp, g, degt, b2d):
    return pl.pallas_call(
        _combine_body,
        grid=(NPAD // _BM,),
        in_specs=[
            pl.BlockSpec((NC, _BM, D), lambda i: (0, i, 0)),
            pl.BlockSpec((_BM, D), lambda i: (i, 0)),
            pl.BlockSpec((_BM, NW * NHL), lambda i: (i, 0)),
            pl.BlockSpec((1, D), lambda i: (0, 0)),
        ],
        out_specs=pl.BlockSpec((_BM, D), lambda i: (i, 0)),
        out_shape=jax.ShapeDtypeStruct((NPAD, D), jnp.float32),
    )(accp, g, degt, b2d)



def kernel(x, edge_index, W, b):
    src = edge_index[0].astype(jnp.int32)
    dst = edge_index[1].astype(jnp.int32)
    pad_slots = NCHUNK * K - EPT
    srcf = jnp.pad(src.reshape(NW, EPT), ((0, 0), (0, pad_slots)),
                   constant_values=PAD_ROW)
    dstf = jnp.pad(dst.reshape(NW, EPT), ((0, 0), (0, pad_slots)),
                   constant_values=PAD_ROW)
    x_pad = jnp.pad(x, ((0, NPAD - N_NODES), (0, 0)))

    zhist = jnp.zeros((NHL * NPAD,), jnp.float32)
    zacc = jnp.zeros((ROWS_PER_TILE, D), jnp.float32)

    pad_idx = jnp.full((KA,), PAD_ROW, jnp.int32)

    degp = _deg_kernel(dstf.reshape(NW, NCHUNK, K), zhist)
    degt = degp.reshape(NW, NPAD, NHL).transpose(1, 0, 2).reshape(NPAD, NW * NHL)
    g = _linear(x_pad, W, degt)
    accp = _agg_kernel(g, srcf.reshape(NW, NCHA, KA),
                       dstf.reshape(NW, NCHA, KA), zacc, pad_idx)
    out = _combine(accp, g, degt, b.reshape(1, D))
    return out[:N_NODES]

# --- scband reference (transcript-rebuilt; emitter-appended) ---
"""Pipeline reference for scband-gcn-1layer-79027398246920 (READ-ONLY COPY).

The authoritative reference and input builder live on the scoring server;
editing this copy changes nothing except your own understanding.
"""

import jax, jax.numpy as jnp
import numpy as np

N_NODES = 10000
N_EDGES = 320000
D_IN = 128
D_OUT = 128


def setup_inputs(seed: int = 0) -> dict:
    key = jax.random.key(seed)
    k1, k2, k3, k4 = jax.random.split(key, 4)
    x = jax.random.normal(k1, (N_NODES, D_IN), dtype=jnp.float32)
    edge_index = jax.random.randint(k2, (2, N_EDGES), 0, N_NODES, dtype=jnp.int64)
    # GCNConv params: linear (no bias) + separate bias, glorot-style init
    limit = float(np.sqrt(6.0 / (D_IN + D_OUT)))
    W = jax.random.uniform(k3, (D_IN, D_OUT), dtype=jnp.float32, minval=-limit, maxval=limit)
    b = jnp.zeros((D_OUT,), dtype=jnp.float32)
    return {"x": x, "edge_index": edge_index, "W": W, "b": b}


def reference(x, edge_index, W, b):
    # PyG GCNConv: add self loops, symmetric normalization, linear transform,
    # scatter-add aggregation over destination nodes, then bias.
    n = x.shape[0]
    loop = jnp.arange(n, dtype=edge_index.dtype)
    src = jnp.concatenate([edge_index[0], loop])
    dst = jnp.concatenate([edge_index[1], loop])
    # degree on dst (col) with edge_weight = 1, self loops included
    deg = jax.ops.segment_sum(jnp.ones_like(src, dtype=x.dtype), dst, num_segments=n)
    deg_inv_sqrt = jnp.where(deg > 0, deg ** -0.5, 0.0)
    norm = deg_inv_sqrt[src] * deg_inv_sqrt[dst]
    h = x @ W
    msgs = h[src] * norm[:, None]
    out = jax.ops.segment_sum(msgs, dst, num_segments=n)
    return out + b

if __name__ == "__main__":
    import jax
    _d = setup_inputs()
    print(jax.jit(kernel)(*tuple(_d.values())))

</pallas_src>

<mosaic_0001>
#map = affine_map<(d0, d1) -> (0, 0, 0)>
#map1 = affine_map<(d0, d1) -> (0)>
#map2 = affine_map<(d0, d1) -> (0, 0)>
module attributes {stable_mosaic.version = 14 : i64} {
  func.func @_deg_body(%arg0: i32, %arg1: i32, %arg2: memref<32x80x128xi32, #tpu.memory_space<hbm>>, %arg3: memref<81920xf32, #tpu.memory_space<hbm>>, %arg4: memref<32x81920xf32, #tpu.memory_space<hbm>>, %arg5: memref<4x128xi32, #tpu.memory_space<vmem>>, %arg6: memref<81920xf32, #tpu.memory_space<vmem>>) attributes {dimension_semantics = [#tpu.dimension_semantics<core_parallel>, #tpu.dimension_semantics<subcore_parallel>], iteration_bounds = array<i64: 2, 16>, scalar_prefetch = 0 : i64, scratch_operands = 2 : i64, tpu.core_type = #tpu.core_type<sc_vector_subcore>, window_params = [{transform_indices = #map}, {transform_indices = #map1}, {transform_indices = #map2}]} {
    %mul3A = arith.constant 16 : i32
    %mul3A_0 = arith.muli %arg0, %mul3A : i32
    %add3A = arith.addi %mul3A_0, %arg1 : i32
    "tpu.region"() ({
      %run_scoped3A = tpu.sem_alloc : memref<!tpu.dma_semaphore, #tpu.memory_space<semaphore_mem>>
      tpu.enqueue_dma source(%arg3 : memref<81920xf32, #tpu.memory_space<hbm>>) target(%arg6 : memref<81920xf32, #tpu.memory_space<vmem>>) target_semaphore(%run_scoped3A : memref<!tpu.dma_semaphore, #tpu.memory_space<semaphore_mem>>)
      tpu.wait_dma2 semaphore(%run_scoped3A : memref<!tpu.dma_semaphore, #tpu.memory_space<semaphore_mem>>) src(%arg3 : memref<81920xf32, #tpu.memory_space<hbm>>) dst(%arg6 : memref<81920xf32, #tpu.memory_space<vmem>>)
      tpu.yield
    }) : () -> ()
    %iota3A = tpu.iota {dimensions = array<i32: 0>} : vector<16xi32>
    %and3A = arith.constant 7 : i32
    %and3A_1 = vector.broadcast %and3A : i32 to vector<16xi32>
    %and3A_2 = arith.andi %iota3A, %and3A_1 : vector<16xi32>
    %lt3A = arith.constant 8 : i32
    %lt3A_3 = vector.broadcast %lt3A : i32 to vector<16xi32>
    %lt3A_4 = arith.cmpi slt, %iota3A, %lt3A_3 : vector<16xi32>
    %ge3A = arith.constant 8 : i32
    %ge3A_5 = vector.broadcast %ge3A : i32 to vector<16xi32>
    %ge3A_6 = arith.cmpi sge, %iota3A, %ge3A_5 : vector<16xi32>
    %broadcast_in_dim3A = arith.constant 1.000000e+00 : f32
    %broadcast_in_dim3A_7 = vector.broadcast %broadcast_in_dim3A : f32 to vector<16xf32>
    %scan3A = arith.constant 0 : i32
    %scan3A_8 = arith.constant 0 : i32
    %scan3A_9 = arith.constant 20 : i32
    %scan3A_10 = arith.addi %scan3A_8, %scan3A_9 : i32
    %scan3A_11 = arith.constant 1 : i32
    scf.for %scan3A_13 = %scan3A_8 to %scan3A_10 step %scan3A_11  : i32 {
      %mul3A_14 = arith.constant 4 : i32
      %mul3A_15 = arith.muli %scan3A_13, %mul3A_14 : i32
      "tpu.region"() ({
        %run_scoped3A = tpu.sem_alloc : memref<!tpu.dma_semaphore, #tpu.memory_space<semaphore_mem>>
        %dma_start3A = arith.constant 0 : i32
        %dma_start3A_22 = tpu.memref_slice %arg2[%add3A, %mul3A_15, %dma_start3A] : memref<32x80x128xi32, #tpu.memory_space<hbm>> -> memref<1x4x128xi32, #tpu.memory_space<hbm>>
        %dma_start3A_23 = tpu.memref_squeeze %dma_start3A_22 : memref<1x4x128xi32, #tpu.memory_space<hbm>> -> memref<4x128xi32, #tpu.memory_space<hbm>>
        %dma_start3A_24 = arith.constant 0 : i32
        %dma_start3A_25 = tpu.memref_slice %arg2[%add3A, %mul3A_15, %dma_start3A_24] : memref<32x80x128xi32, #tpu.memory_space<hbm>> -> memref<1x4x128xi32, #tpu.memory_space<hbm>>
        %dma_start3A_26 = tpu.memref_squeeze %dma_start3A_25 : memref<1x4x128xi32, #tpu.memory_space<hbm>> -> memref<4x128xi32, #tpu.memory_space<hbm>>
        tpu.enqueue_dma source(%dma_start3A_26 : memref<4x128xi32, #tpu.memory_space<hbm>>) target(%arg5 : memref<4x128xi32, #tpu.memory_space<vmem>>) target_semaphore(%run_scoped3A : memref<!tpu.dma_semaphore, #tpu.memory_space<semaphore_mem>>)
        %dma_wait3A = arith.constant 0 : i32
        %dma_wait3A_27 = tpu.memref_slice %arg2[%add3A, %mul3A_15, %dma_wait3A] : memref<32x80x128xi32, #tpu.memory_space<hbm>> -> memref<1x4x128xi32, #tpu.memory_space<hbm>>
        %dma_wait3A_28 = tpu.memref_squeeze %dma_wait3A_27 : memref<1x4x128xi32, #tpu.memory_space<hbm>> -> memref<4x128xi32, #tpu.memory_space<hbm>>
        %dma_wait3A_29 = arith.constant 0 : i32
        %dma_wait3A_30 = tpu.memref_slice %arg2[%add3A, %mul3A_15, %dma_wait3A_29] : memref<32x80x128xi32, #tpu.memory_space<hbm>> -> memref<1x4x128xi32, #tpu.memory_space<hbm>>
        %dma_wait3A_31 = tpu.memref_squeeze %dma_wait3A_30 : memref<1x4x128xi32, #tpu.memory_space<hbm>> -> memref<4x128xi32, #tpu.memory_space<hbm>>
        tpu.wait_dma2 semaphore(%run_scoped3A : memref<!tpu.dma_semaphore, #tpu.memory_space<semaphore_mem>>) src(%dma_wait3A_31 : memref<4x128xi32, #tpu.memory_space<hbm>>) dst(%arg5 : memref<4x128xi32, #tpu.memory_space<vmem>>)
        tpu.yield
      }) : () -> ()
      %scan3A_16 = arith.constant 0 : i32
      %scan3A_17 = arith.constant 0 : i32
      %scan3A_18 = arith.constant 4 : i32
      %scan3A_19 = arith.addi %scan3A_17, %scan3A_18 : i32
      %scan3A_20 = arith.constant 1 : i32
      scf.for %scan3A_22 = %scan3A_17 to %scan3A_19 step %scan3A_20  : i32 {
        %get3A = arith.index_cast %scan3A_22 : i32 to index
        %get3A_23 = arith.constant 0 : index
        %get3A_24 = tpu.vector_load %arg5[%get3A, %get3A_23] {strides = array<i32>} : memref<4x128xi32, #tpu.memory_space<vmem>>, vector<16xi32>,
        %mul3A_25 = arith.constant 8 : i32
        %mul3A_26 = vector.broadcast %mul3A_25 : i32 to vector<16xi32>
        %mul3A_27 = arith.muli %get3A_24, %mul3A_26 : vector<16xi32>
        %add3A_28 = arith.addi %mul3A_27, %and3A_2 : vector<16xi32>
        tpu.vector_store_idx %arg6[%add3A_28], %broadcast_in_dim3A_7 masked %lt3A_4 {add = true} : memref<81920xf32, #tpu.memory_space<vmem>>[vector<16xi32>], vector<16xf32>, vector<16xi1>
        tpu.vector_store_idx %arg6[%add3A_28], %broadcast_in_dim3A_7 masked %ge3A_6 {add = true} : memref<81920xf32, #tpu.memory_space<vmem>>[vector<16xi32>], vector<16xf32>, vector<16xi1>
        %get3A_29 = arith.index_cast %scan3A_22 : i32 to index
        %get3A_30 = arith.constant 16 : index
        %get3A_31 = tpu.vector_load %arg5[%get3A_29, %get3A_30] {strides = array<i32>} : memref<4x128xi32, #tpu.memory_space<vmem>>, vector<16xi32>,
        %mul3A_32 = arith.constant 8 : i32
        %mul3A_33 = vector.broadcast %mul3A_32 : i32 to vector<16xi32>
        %mul3A_34 = arith.muli %get3A_31, %mul3A_33 : vector<16xi32>
        %add3A_35 = arith.addi %mul3A_34, %and3A_2 : vector<16xi32>
        tpu.vector_store_idx %arg6[%add3A_35], %broadcast_in_dim3A_7 masked %lt3A_4 {add = true} : memref<81920xf32, #tpu.memory_space<vmem>>[vector<16xi32>], vector<16xf32>, vector<16xi1>
        tpu.vector_store_idx %arg6[%add3A_35], %broadcast_in_dim3A_7 masked %ge3A_6 {add = true} : memref<81920xf32, #tpu.memory_space<vmem>>[vector<16xi32>], vector<16xf32>, vector<16xi1>
        %get3A_36 = arith.index_cast %scan3A_22 : i32 to index
        %get3A_37 = arith.constant 32 : index
        %get3A_38 = tpu.vector_load %arg5[%get3A_36, %get3A_37] {strides = array<i32>} : memref<4x128xi32, #tpu.memory_space<vmem>>, vector<16xi32>,
        %mul3A_39 = arith.constant 8 : i32
        %mul3A_40 = vector.broadcast %mul3A_39 : i32 to vector<16xi32>
        %mul3A_41 = arith.muli %get3A_38, %mul3A_40 : vector<16xi32>
        %add3A_42 = arith.addi %mul3A_41, %and3A_2 : vector<16xi32>
        tpu.vector_store_idx %arg6[%add3A_42], %broadcast_in_dim3A_7 masked %lt3A_4 {add = true} : memref<81920xf32, #tpu.memory_space<vmem>>[vector<16xi32>], vector<16xf32>, vector<16xi1>
        tpu.vector_store_idx %arg6[%add3A_42], %broadcast_in_dim3A_7 masked %ge3A_6 {add = true} : memref<81920xf32, #tpu.memory_space<vmem>>[vector<16xi32>], vector<16xf32>, vector<16xi1>
        %get3A_43 = arith.index_cast %scan3A_22 : i32 to index
        %get3A_44 = arith.constant 48 : index
        %get3A_45 = tpu.vector_load %arg5[%get3A_43, %get3A_44] {strides = array<i32>} : memref<4x128xi32, #tpu.memory_space<vmem>>, vector<16xi32>,
        %mul3A_46 = arith.constant 8 : i32
        %mul3A_47 = vector.broadcast %mul3A_46 : i32 to vector<16xi32>
        %mul3A_48 = arith.muli %get3A_45, %mul3A_47 : vector<16xi32>
        %add3A_49 = arith.addi %mul3A_48, %and3A_2 : vector<16xi32>
        tpu.vector_store_idx %arg6[%add3A_49], %broadcast_in_dim3A_7 masked %lt3A_4 {add = true} : memref<81920xf32, #tpu.memory_space<vmem>>[vector<16xi32>], vector<16xf32>, vector<16xi1>
        tpu.vector_store_idx %arg6[%add3A_49], %broadcast_in_dim3A_7 masked %ge3A_6 {add = true} : memref<81920xf32, #tpu.memory_space<vmem>>[vector<16xi32>], vector<16xf32>, vector<16xi1>
        %get3A_50 = arith.index_cast %scan3A_22 : i32 to index
        %get3A_51 = arith.constant 64 : index
        %get3A_52 = tpu.vector_load %arg5[%get3A_50, %get3A_51] {strides = array<i32>} : memref<4x128xi32, #tpu.memory_space<vmem>>, vector<16xi32>,
        %mul3A_53 = arith.constant 8 : i32
        %mul3A_54 = vector.broadcast %mul3A_53 : i32 to vector<16xi32>
        %mul3A_55 = arith.muli %get3A_52, %mul3A_54 : vector<16xi32>
        %add3A_56 = arith.addi %mul3A_55, %and3A_2 : vector<16xi32>
        tpu.vector_store_idx %arg6[%add3A_56], %broadcast_in_dim3A_7 masked %lt3A_4 {add = true} : memref<81920xf32, #tpu.memory_space<vmem>>[vector<16xi32>], vector<16xf32>, vector<16xi1>
        tpu.vector_store_idx %arg6[%add3A_56], %broadcast_in_dim3A_7 masked %ge3A_6 {add = true} : memref<81920xf32, #tpu.memory_space<vmem>>[vector<16xi32>], vector<16xf32>, vector<16xi1>
        %get3A_57 = arith.index_cast %scan3A_22 : i32 to index
        %get3A_58 = arith.constant 80 : index
        %get3A_59 = tpu.vector_load %arg5[%get3A_57, %get3A_58] {strides = array<i32>} : memref<4x128xi32, #tpu.memory_space<vmem>>, vector<16xi32>,
        %mul3A_60 = arith.constant 8 : i32
        %mul3A_61 = vector.broadcast %mul3A_60 : i32 to vector<16xi32>
        %mul3A_62 = arith.muli %get3A_59, %mul3A_61 : vector<16xi32>
        %add3A_63 = arith.addi %mul3A_62, %and3A_2 : vector<16xi32>
        tpu.vector_store_idx %arg6[%add3A_63], %broadcast_in_dim3A_7 masked %lt3A_4 {add = true} : memref<81920xf32, #tpu.memory_space<vmem>>[vector<16xi32>], vector<16xf32>, vector<16xi1>
        tpu.vector_store_idx %arg6[%add3A_63], %broadcast_in_dim3A_7 masked %ge3A_6 {add = true} : memref<81920xf32, #tpu.memory_space<vmem>>[vector<16xi32>], vector<16xf32>, vector<16xi1>
        %get3A_64 = arith.index_cast %scan3A_22 : i32 to index
        %get3A_65 = arith.constant 96 : index
        %get3A_66 = tpu.vector_load %arg5[%get3A_64, %get3A_65] {strides = array<i32>} : memref<4x128xi32, #tpu.memory_space<vmem>>, vector<16xi32>,
        %mul3A_67 = arith.constant 8 : i32
        %mul3A_68 = vector.broadcast %mul3A_67 : i32 to vector<16xi32>
        %mul3A_69 = arith.muli %get3A_66, %mul3A_68 : vector<16xi32>
        %add3A_70 = arith.addi %mul3A_69, %and3A_2 : vector<16xi32>
        tpu.vector_store_idx %arg6[%add3A_70], %broadcast_in_dim3A_7 masked %lt3A_4 {add = true} : memref<81920xf32, #tpu.memory_space<vmem>>[vector<16xi32>], vector<16xf32>, vector<16xi1>
        tpu.vector_store_idx %arg6[%add3A_70], %broadcast_in_dim3A_7 masked %ge3A_6 {add = true} : memref<81920xf32, #tpu.memory_space<vmem>>[vector<16xi32>], vector<16xf32>, vector<16xi1>
        %get3A_71 = arith.index_cast %scan3A_22 : i32 to index
        %get3A_72 = arith.constant 112 : index
        %get3A_73 = tpu.vector_load %arg5[%get3A_71, %get3A_72] {strides = array<i32>} : memref<4x128xi32, #tpu.memory_space<vmem>>, vector<16xi32>,
        %mul3A_74 = arith.constant 8 : i32
        %mul3A_75 = vector.broadcast %mul3A_74 : i32 to vector<16xi32>
        %mul3A_76 = arith.muli %get3A_73, %mul3A_75 : vector<16xi32>
        %add3A_77 = arith.addi %mul3A_76, %and3A_2 : vector<16xi32>
        tpu.vector_store_idx %arg6[%add3A_77], %broadcast_in_dim3A_7 masked %lt3A_4 {add = true} : memref<81920xf32, #tpu.memory_space<vmem>>[vector<16xi32>], vector<16xf32>, vector<16xi1>
        tpu.vector_store_idx %arg6[%add3A_77], %broadcast_in_dim3A_7 masked %ge3A_6 {add = true} : memref<81920xf32, #tpu.memory_space<vmem>>[vector<16xi32>], vector<16xf32>, vector<16xi1>
      }
      %scan3A_21 = arith.constant 4 : i32
    }
    %scan3A_12 = arith.constant 20 : i32
    "tpu.region"() ({
      %run_scoped3A = tpu.sem_alloc : memref<!tpu.dma_semaphore, #tpu.memory_space<semaphore_mem>>
      %dma_start3A = arith.constant 0 : i32
      %dma_start3A_13 = tpu.memref_slice %arg4[%add3A, %dma_start3A] : memref<32x81920xf32, #tpu.memory_space<hbm>> -> memref<1x81920xf32, #tpu.memory_space<hbm>>
      %dma_start3A_14 = tpu.memref_squeeze %dma_start3A_13 : memref<1x81920xf32, #tpu.memory_space<hbm>> -> memref<81920xf32, #tpu.memory_space<hbm>>
      %dma_start3A_15 = arith.constant 0 : i32
      %dma_start3A_16 = tpu.memref_slice %arg4[%add3A, %dma_start3A_15] : memref<32x81920xf32, #tpu.memory_space<hbm>> -> memref<1x81920xf32, #tpu.memory_space<hbm>>
      %dma_start3A_17 = tpu.memref_squeeze %dma_start3A_16 : memref<1x81920xf32, #tpu.memory_space<hbm>> -> memref<81920xf32, #tpu.memory_space<hbm>>
      tpu.enqueue_dma source(%arg6 : memref<81920xf32, #tpu.memory_space<vmem>>) target(%dma_start3A_17 : memref<81920xf32, #tpu.memory_space<hbm>>) target_semaphore(%run_scoped3A : memref<!tpu.dma_semaphore, #tpu.memory_space<semaphore_mem>>)
      %dma_wait3A = arith.constant 0 : i32
      %dma_wait3A_18 = tpu.memref_slice %arg4[%add3A, %dma_wait3A] : memref<32x81920xf32, #tpu.memory_space<hbm>> -> memref<1x81920xf32, #tpu.memory_space<hbm>>
      %dma_wait3A_19 = tpu.memref_squeeze %dma_wait3A_18 : memref<1x81920xf32, #tpu.memory_space<hbm>> -> memref<81920xf32, #tpu.memory_space<hbm>>
      %dma_wait3A_20 = arith.constant 0 : i32
      %dma_wait3A_21 = tpu.memref_slice %arg4[%add3A, %dma_wait3A_20] : memref<32x81920xf32, #tpu.memory_space<hbm>> -> memref<1x81920xf32, #tpu.memory_space<hbm>>
      %dma_wait3A_22 = tpu.memref_squeeze %dma_wait3A_21 : memref<1x81920xf32, #tpu.memory_space<hbm>> -> memref<81920xf32, #tpu.memory_space<hbm>>
      tpu.wait_dma2 semaphore(%run_scoped3A : memref<!tpu.dma_semaphore, #tpu.memory_space<semaphore_mem>>) src(%arg6 : memref<81920xf32, #tpu.memory_space<vmem>>) dst(%dma_wait3A_22 : memref<81920xf32, #tpu.memory_space<hbm>>)
      tpu.yield
    }) : () -> ()
    return
  }
}

#map = affine_map<(d0, d1) -> (0, 0)>
#map1 = affine_map<(d0, d1) -> (0, 0, 0)>
#map2 = affine_map<(d0, d1) -> (0)>
module attributes {stable_mosaic.version = 14 : i64} {
  func.func @_agg_body(%arg0: i32, %arg1: i32, %arg2: memref<10240x128xf32, #tpu.memory_space<hbm>>, %arg3: memref<32x160x64xi32, #tpu.memory_space<hbm>>, %arg4: memref<32x160x64xi32, #tpu.memory_space<hbm>>, %arg5: memref<640x128xf32, #tpu.memory_space<hbm>>, %arg6: memref<64xi32, #tpu.memory_space<hbm>>, %arg7: memref<2x10240x128xf32, #tpu.memory_space<hbm>>, %arg8: memref<4x64xi32, #tpu.memory_space<vmem>>, %arg9: memref<4x64xi32, #tpu.memory_space<vmem>>, %arg10: memref<64xi32, #tpu.memory_space<vmem>>, %arg11: memref<64x128xf32, #tpu.memory_space<vmem>>, %arg12: memref<64x128xf32, #tpu.memory_space<vmem>>, %arg13: memref<64x128xf32, #tpu.memory_space<vmem>>, %arg14: memref<64x128xf32, #tpu.memory_space<vmem>>, %arg15: memref<10240x128xf32, #tpu.memory_space<vmem_shared>>, %arg16: memref<!tpu.dma_semaphore, #tpu.memory_space<semaphore_mem>>, %arg17: memref<!tpu.dma_semaphore, #tpu.memory_space<semaphore_mem>>, %arg18: memref<!tpu.dma_semaphore, #tpu.memory_space<semaphore_mem>>, %arg19: memref<!tpu.dma_semaphore, #tpu.memory_space<semaphore_mem>>, %arg20: memref<!tpu.dma_semaphore, #tpu.memory_space<semaphore_mem>>, %arg21: memref<!tpu.dma_semaphore, #tpu.memory_space<semaphore_mem>>, %arg22: memref<!tpu.dma_semaphore, #tpu.memory_space<semaphore_mem>>, %arg23: memref<!tpu.dma_semaphore, #tpu.memory_space<semaphore_mem>>) attributes {dimension_semantics = [#tpu.dimension_semantics<core_parallel>, #tpu.dimension_semantics<subcore_parallel>], iteration_bounds = array<i64: 2, 16>, scalar_prefetch = 0 : i64, scratch_operands = 16 : i64, tpu.core_type = #tpu.core_type<sc_vector_subcore>, window_params = [{transform_indices = #map}, {transform_indices = #map1}, {transform_indices = #map1}, {transform_indices = #map}, {transform_indices = #map2}, {transform_indices = #map1}]} {
    %mul3A = arith.constant 16 : i32
    %mul3A_0 = arith.muli %arg0, %mul3A : i32
    %add3A = arith.addi %mul3A_0, %arg1 : i32
    %mul3A_1 = arith.constant 640 : i32
    %mul3A_2 = arith.muli %arg1, %mul3A_1 : i32
    "tpu.region"() ({
      %run_scoped3A = tpu.sem_alloc : memref<!tpu.dma_semaphore, #tpu.memory_space<semaphore_mem>>
      %dma_start3A_33 = arith.constant 0 : i32
      %dma_start3A_34 = tpu.memref_slice %arg15[%mul3A_2, %dma_start3A_33] : memref<10240x128xf32, #tpu.memory_space<vmem_shared>> -> memref<640x128xf32, #tpu.memory_space<vmem_shared>>
      tpu.enqueue_dma source(%arg5 : memref<640x128xf32, #tpu.memory_space<hbm>>) target(%dma_start3A_34 : memref<640x128xf32, #tpu.memory_space<vmem_shared>>) target_semaphore(%run_scoped3A : memref<!tpu.dma_semaphore, #tpu.memory_space<semaphore_mem>>)
      %dma_wait3A_35 = arith.constant 0 : i32
      %dma_wait3A_36 = tpu.memref_slice %arg15[%mul3A_2, %dma_wait3A_35] : memref<10240x128xf32, #tpu.memory_space<vmem_shared>> -> memref<640x128xf32, #tpu.memory_space<vmem_shared>>
      tpu.wait_dma2 semaphore(%run_scoped3A : memref<!tpu.dma_semaphore, #tpu.memory_space<semaphore_mem>>) src(%arg5 : memref<640x128xf32, #tpu.memory_space<hbm>>) dst(%dma_wait3A_36 : memref<640x128xf32, #tpu.memory_space<vmem_shared>>)
      tpu.yield
    }) : () -> ()
    %barrier3A = arith.constant 0 : index
    tpu.barrier barrier_id(%barrier3A)
    "tpu.region"() ({
      %run_scoped3A = tpu.sem_alloc : memref<!tpu.dma_semaphore, #tpu.memory_space<semaphore_mem>>
      tpu.enqueue_dma source(%arg6 : memref<64xi32, #tpu.memory_space<hbm>>) target(%arg10 : memref<64xi32, #tpu.memory_space<vmem>>) target_semaphore(%run_scoped3A : memref<!tpu.dma_semaphore, #tpu.memory_space<semaphore_mem>>)
      tpu.wait_dma2 semaphore(%run_scoped3A : memref<!tpu.dma_semaphore, #tpu.memory_space<semaphore_mem>>) src(%arg6 : memref<64xi32, #tpu.memory_space<hbm>>) dst(%arg10 : memref<64xi32, #tpu.memory_space<vmem>>)
      tpu.yield
    }) : () -> ()
    %dma_start3A = arith.constant 0 : i32
    %dma_start3A_3 = arith.constant 0 : i32
    %dma_start3A_4 = tpu.memref_slice %arg15[%dma_start3A, %dma_start3A_3] : memref<10240x128xf32, #tpu.memory_space<vmem_shared>> -> memref<10240x128xf32, #tpu.memory_space<vmem_shared>>
    tpu.enqueue_indirect_dma source(%arg11 : memref<64x128xf32, #tpu.memory_space<vmem>>) target(%dma_start3A_4 : memref<10240x128xf32, #tpu.memory_space<vmem_shared>>) offsets(%arg10 : memref<64xi32, #tpu.memory_space<vmem>>) semaphore(%arg20 : memref<!tpu.dma_semaphore, #tpu.memory_space<semaphore_mem>>) {add = true}
    %dma_start3A_5 = arith.constant 0 : i32
    %dma_start3A_6 = arith.constant 0 : i32
    %dma_start3A_7 = tpu.memref_slice %arg15[%dma_start3A_5, %dma_start3A_6] : memref<10240x128xf32, #tpu.memory_space<vmem_shared>> -> memref<10240x128xf32, #tpu.memory_space<vmem_shared>>
    tpu.enqueue_indirect_dma source(%arg12 : memref<64x128xf32, #tpu.memory_space<vmem>>) target(%dma_start3A_7 : memref<10240x128xf32, #tpu.memory_space<vmem_shared>>) offsets(%arg10 : memref<64xi32, #tpu.memory_space<vmem>>) semaphore(%arg21 : memref<!tpu.dma_semaphore, #tpu.memory_space<semaphore_mem>>) {add = true}
    %dma_start3A_8 = arith.constant 0 : i32
    %dma_start3A_9 = arith.constant 0 : i32
    %dma_start3A_10 = tpu.memref_slice %arg15[%dma_start3A_8, %dma_start3A_9] : memref<10240x128xf32, #tpu.memory_space<vmem_shared>> -> memref<10240x128xf32, #tpu.memory_space<vmem_shared>>
    tpu.enqueue_indirect_dma source(%arg13 : memref<64x128xf32, #tpu.memory_space<vmem>>) target(%dma_start3A_10 : memref<10240x128xf32, #tpu.memory_space<vmem_shared>>) offsets(%arg10 : memref<64xi32, #tpu.memory_space<vmem>>) semaphore(%arg22 : memref<!tpu.dma_semaphore, #tpu.memory_space<semaphore_mem>>) {add = true}
    %dma_start3A_11 = arith.constant 0 : i32
    %dma_start3A_12 = arith.constant 0 : i32
    %dma_start3A_13 = tpu.memref_slice %arg15[%dma_start3A_11, %dma_start3A_12] : memref<10240x128xf32, #tpu.memory_space<vmem_shared>> -> memref<10240x128xf32, #tpu.memory_space<vmem_shared>>
    tpu.enqueue_indirect_dma source(%arg14 : memref<64x128xf32, #tpu.memory_space<vmem>>) target(%dma_start3A_13 : memref<10240x128xf32, #tpu.memory_space<vmem_shared>>) offsets(%arg10 : memref<64xi32, #tpu.memory_space<vmem>>) semaphore(%arg23 : memref<!tpu.dma_semaphore, #tpu.memory_space<semaphore_mem>>) {add = true}
    %scan3A = arith.constant 0 : i32
    %scan3A_14 = arith.constant 0 : i32
    %scan3A_15 = arith.constant 40 : i32
    %scan3A_16 = arith.addi %scan3A_14, %scan3A_15 : i32
    %scan3A_17 = arith.constant 1 : i32
    scf.for %scan3A_33 = %scan3A_14 to %scan3A_16 step %scan3A_17  : i32 {
      %mul3A_34 = arith.constant 4 : i32
      %mul3A_35 = arith.muli %mul3A_34, %scan3A_33 : i32
      "tpu.region"() ({
        %run_scoped3A = tpu.sem_alloc : memref<!tpu.dma_semaphore, #tpu.memory_space<semaphore_mem>>
        %dma_start3A_132 = arith.constant 0 : i32
        %dma_start3A_133 = tpu.memref_slice %arg3[%add3A, %mul3A_35, %dma_start3A_132] : memref<32x160x64xi32, #tpu.memory_space<hbm>> -> memref<1x4x64xi32, #tpu.memory_space<hbm>>
        %dma_start3A_134 = tpu.memref_squeeze %dma_start3A_133 : memref<1x4x64xi32, #tpu.memory_space<hbm>> -> memref<4x64xi32, #tpu.memory_space<hbm>>
        %dma_start3A_135 = arith.constant 0 : i32
        %dma_start3A_136 = tpu.memref_slice %arg3[%add3A, %mul3A_35, %dma_start3A_135] : memref<32x160x64xi32, #tpu.memory_space<hbm>> -> memref<1x4x64xi32, #tpu.memory_space<hbm>>
        %dma_start3A_137 = tpu.memref_squeeze %dma_start3A_136 : memref<1x4x64xi32, #tpu.memory_space<hbm>> -> memref<4x64xi32, #tpu.memory_space<hbm>>
        tpu.enqueue_dma source(%dma_start3A_137 : memref<4x64xi32, #tpu.memory_space<hbm>>) target(%arg8 : memref<4x64xi32, #tpu.memory_space<vmem>>) target_semaphore(%run_scoped3A : memref<!tpu.dma_semaphore, #tpu.memory_space<semaphore_mem>>)
        %dma_wait3A_138 = arith.constant 0 : i32
        %dma_wait3A_139 = tpu.memref_slice %arg3[%add3A, %mul3A_35, %dma_wait3A_138] : memref<32x160x64xi32, #tpu.memory_space<hbm>> -> memref<1x4x64xi32, #tpu.memory_space<hbm>>
        %dma_wait3A_140 = tpu.memref_squeeze %dma_wait3A_139 : memref<1x4x64xi32, #tpu.memory_space<hbm>> -> memref<4x64xi32, #tpu.memory_space<hbm>>
        %dma_wait3A_141 = arith.constant 0 : i32
        %dma_wait3A_142 = tpu.memref_slice %arg3[%add3A, %mul3A_35, %dma_wait3A_141] : memref<32x160x64xi32, #tpu.memory_space<hbm>> -> memref<1x4x64xi32, #tpu.memory_space<hbm>>
        %dma_wait3A_143 = tpu.memref_squeeze %dma_wait3A_142 : memref<1x4x64xi32, #tpu.memory_space<hbm>> -> memref<4x64xi32, #tpu.memory_space<hbm>>
        tpu.wait_dma2 semaphore(%run_scoped3A : memref<!tpu.dma_semaphore, #tpu.memory_space<semaphore_mem>>) src(%dma_wait3A_143 : memref<4x64xi32, #tpu.memory_space<hbm>>) dst(%arg8 : memref<4x64xi32, #tpu.memory_space<vmem>>)
        tpu.yield
      }) : () -> ()
      %dma_wait3A_36 = arith.constant 0 : i32
      %dma_wait3A_37 = arith.constant 0 : i32
      %dma_wait3A_38 = tpu.memref_slice %arg15[%dma_wait3A_36, %dma_wait3A_37] : memref<10240x128xf32, #tpu.memory_space<vmem_shared>> -> memref<10240x128xf32, #tpu.memory_space<vmem_shared>>
      tpu.wait_indirect_dma semaphore(%arg20 : memref<!tpu.dma_semaphore, #tpu.memory_space<semaphore_mem>>) src(%arg11 : memref<64x128xf32, #tpu.memory_space<vmem>>) dst(%dma_wait3A_38 : memref<10240x128xf32, #tpu.memory_space<vmem_shared>>)
      %dma_start3A_39 = arith.constant 0 : i32
      %dma_start3A_40 = arith.constant 0 : i32
      %dma_start3A_41 = tpu.memref_slice %arg8[%dma_start3A_39, %dma_start3A_40] : memref<4x64xi32, #tpu.memory_space<vmem>> -> memref<1x64xi32, #tpu.memory_space<vmem>>
      %dma_start3A_42 = tpu.memref_squeeze %dma_start3A_41 : memref<1x64xi32, #tpu.memory_space<vmem>> -> memref<64xi32, #tpu.memory_space<vmem>>
      %dma_start3A_43 = arith.constant 0 : i32
      %dma_start3A_44 = arith.constant 0 : i32
      %dma_start3A_45 = tpu.memref_slice %arg2[%dma_start3A_43, %dma_start3A_44] : memref<10240x128xf32, #tpu.memory_space<hbm>> -> memref<10240x128xf32, #tpu.memory_space<hbm>>
      tpu.enqueue_indirect_dma source(%dma_start3A_45 : memref<10240x128xf32, #tpu.memory_space<hbm>>) target(%arg11 : memref<64x128xf32, #tpu.memory_space<vmem>>) offsets(%dma_start3A_42 : memref<64xi32, #tpu.memory_space<vmem>>) semaphore(%arg16 : memref<!tpu.dma_semaphore, #tpu.memory_space<semaphore_mem>>)
      %dma_wait3A_46 = arith.constant 0 : i32
      %dma_wait3A_47 = arith.constant 0 : i32
      %dma_wait3A_48 = tpu.memref_slice %arg15[%dma_wait3A_46, %dma_wait3A_47] : memref<10240x128xf32, #tpu.memory_space<vmem_shared>> -> memref<10240x128xf32, #tpu.memory_space<vmem_shared>>
      tpu.wait_indirect_dma semaphore(%arg21 : memref<!tpu.dma_semaphore, #tpu.memory_space<semaphore_mem>>) src(%arg12 : memref<64x128xf32, #tpu.memory_space<vmem>>) dst(%dma_wait3A_48 : memref<10240x128xf32, #tpu.memory_space<vmem_shared>>)
      %dma_start3A_49 = arith.constant 1 : i32
      %dma_start3A_50 = arith.constant 0 : i32
      %dma_start3A_51 = tpu.memref_slice %arg8[%dma_start3A_49, %dma_start3A_50] : memref<4x64xi32, #tpu.memory_space<vmem>> -> memref<1x64xi32, #tpu.memory_space<vmem>>
      %dma_start3A_52 = tpu.memref_squeeze %dma_start3A_51 : memref<1x64xi32, #tpu.memory_space<vmem>> -> memref<64xi32, #tpu.memory_space<vmem>>
      %dma_start3A_53 = arith.constant 0 : i32
      %dma_start3A_54 = arith.constant 0 : i32
      %dma_start3A_55 = tpu.memref_slice %arg2[%dma_start3A_53, %dma_start3A_54] : memref<10240x128xf32, #tpu.memory_space<hbm>> -> memref<10240x128xf32, #tpu.memory_space<hbm>>
      tpu.enqueue_indirect_dma source(%dma_start3A_55 : memref<10240x128xf32, #tpu.memory_space<hbm>>) target(%arg12 : memref<64x128xf32, #tpu.memory_space<vmem>>) offsets(%dma_start3A_52 : memref<64xi32, #tpu.memory_space<vmem>>) semaphore(%arg17 : memref<!tpu.dma_semaphore, #tpu.memory_space<semaphore_mem>>)
      %dma_wait3A_56 = arith.constant 0 : i32
      %dma_wait3A_57 = arith.constant 0 : i32
      %dma_wait3A_58 = tpu.memref_slice %arg15[%dma_wait3A_56, %dma_wait3A_57] : memref<10240x128xf32, #tpu.memory_space<vmem_shared>> -> memref<10240x128xf32, #tpu.memory_space<vmem_shared>>
      tpu.wait_indirect_dma semaphore(%arg22 : memref<!tpu.dma_semaphore, #tpu.memory_space<semaphore_mem>>) src(%arg13 : memref<64x128xf32, #tpu.memory_space<vmem>>) dst(%dma_wait3A_58 : memref<10240x128xf32, #tpu.memory_space<vmem_shared>>)
      %dma_start3A_59 = arith.constant 2 : i32
      %dma_start3A_60 = arith.constant 0 : i32
      %dma_start3A_61 = tpu.memref_slice %arg8[%dma_start3A_59, %dma_start3A_60] : memref<4x64xi32, #tpu.memory_space<vmem>> -> memref<1x64xi32, #tpu.memory_space<vmem>>
      %dma_start3A_62 = tpu.memref_squeeze %dma_start3A_61 : memref<1x64xi32, #tpu.memory_space<vmem>> -> memref<64xi32, #tpu.memory_space<vmem>>
      %dma_start3A_63 = arith.constant 0 : i32
      %dma_start3A_64 = arith.constant 0 : i32
      %dma_start3A_65 = tpu.memref_slice %arg2[%dma_start3A_63, %dma_start3A_64] : memref<10240x128xf32, #tpu.memory_space<hbm>> -> memref<10240x128xf32, #tpu.memory_space<hbm>>
      tpu.enqueue_indirect_dma source(%dma_start3A_65 : memref<10240x128xf32, #tpu.memory_space<hbm>>) target(%arg13 : memref<64x128xf32, #tpu.memory_space<vmem>>) offsets(%dma_start3A_62 : memref<64xi32, #tpu.memory_space<vmem>>) semaphore(%arg18 : memref<!tpu.dma_semaphore, #tpu.memory_space<semaphore_mem>>)
      %dma_wait3A_66 = arith.constant 0 : i32
      %dma_wait3A_67 = arith.constant 0 : i32
      %dma_wait3A_68 = tpu.memref_slice %arg15[%dma_wait3A_66, %dma_wait3A_67] : memref<10240x128xf32, #tpu.memory_space<vmem_shared>> -> memref<10240x128xf32, #tpu.memory_space<vmem_shared>>
      tpu.wait_indirect_dma semaphore(%arg23 : memref<!tpu.dma_semaphore, #tpu.memory_space<semaphore_mem>>) src(%arg14 : memref<64x128xf32, #tpu.memory_space<vmem>>) dst(%dma_wait3A_68 : memref<10240x128xf32, #tpu.memory_space<vmem_shared>>)
      %dma_start3A_69 = arith.constant 3 : i32
      %dma_start3A_70 = arith.constant 0 : i32
      %dma_start3A_71 = tpu.memref_slice %arg8[%dma_start3A_69, %dma_start3A_70] : memref<4x64xi32, #tpu.memory_space<vmem>> -> memref<1x64xi32, #tpu.memory_space<vmem>>
      %dma_start3A_72 = tpu.memref_squeeze %dma_start3A_71 : memref<1x64xi32, #tpu.memory_space<vmem>> -> memref<64xi32, #tpu.memory_space<vmem>>
      %dma_start3A_73 = arith.constant 0 : i32
      %dma_start3A_74 = arith.constant 0 : i32
      %dma_start3A_75 = tpu.memref_slice %arg2[%dma_start3A_73, %dma_start3A_74] : memref<10240x128xf32, #tpu.memory_space<hbm>> -> memref<10240x128xf32, #tpu.memory_space<hbm>>
      tpu.enqueue_indirect_dma source(%dma_start3A_75 : memref<10240x128xf32, #tpu.memory_space<hbm>>) target(%arg14 : memref<64x128xf32, #tpu.memory_space<vmem>>) offsets(%dma_start3A_72 : memref<64xi32, #tpu.memory_space<vmem>>) semaphore(%arg19 : memref<!tpu.dma_semaphore, #tpu.memory_space<semaphore_mem>>)
      "tpu.region"() ({
        %run_scoped3A = tpu.sem_alloc : memref<!tpu.dma_semaphore, #tpu.memory_space<semaphore_mem>>
        %dma_start3A_132 = arith.constant 0 : i32
        %dma_start3A_133 = tpu.memref_slice %arg4[%add3A, %mul3A_35, %dma_start3A_132] : memref<32x160x64xi32, #tpu.memory_space<hbm>> -> memref<1x4x64xi32, #tpu.memory_space<hbm>>
        %dma_start3A_134 = tpu.memref_squeeze %dma_start3A_133 : memref<1x4x64xi32, #tpu.memory_space<hbm>> -> memref<4x64xi32, #tpu.memory_space<hbm>>
        %dma_start3A_135 = arith.constant 0 : i32
        %dma_start3A_136 = tpu.memref_slice %arg4[%add3A, %mul3A_35, %dma_start3A_135] : memref<32x160x64xi32, #tpu.memory_space<hbm>> -> memref<1x4x64xi32, #tpu.memory_space<hbm>>
        %dma_start3A_137 = tpu.memref_squeeze %dma_start3A_136 : memref<1x4x64xi32, #tpu.memory_space<hbm>> -> memref<4x64xi32, #tpu.memory_space<hbm>>
        tpu.enqueue_dma source(%dma_start3A_137 : memref<4x64xi32, #tpu.memory_space<hbm>>) target(%arg9 : memref<4x64xi32, #tpu.memory_space<vmem>>) target_semaphore(%run_scoped3A : memref<!tpu.dma_semaphore, #tpu.memory_space<semaphore_mem>>)
        %dma_wait3A_138 = arith.constant 0 : i32
        %dma_wait3A_139 = tpu.memref_slice %arg4[%add3A, %mul3A_35, %dma_wait3A_138] : memref<32x160x64xi32, #tpu.memory_space<hbm>> -> memref<1x4x64xi32, #tpu.memory_space<hbm>>
        %dma_wait3A_140 = tpu.memref_squeeze %dma_wait3A_139 : memref<1x4x64xi32, #tpu.memory_space<hbm>> -> memref<4x64xi32, #tpu.memory_space<hbm>>
        %dma_wait3A_141 = arith.constant 0 : i32
        %dma_wait3A_142 = tpu.memref_slice %arg4[%add3A, %mul3A_35, %dma_wait3A_141] : memref<32x160x64xi32, #tpu.memory_space<hbm>> -> memref<1x4x64xi32, #tpu.memory_space<hbm>>
        %dma_wait3A_143 = tpu.memref_squeeze %dma_wait3A_142 : memref<1x4x64xi32, #tpu.memory_space<hbm>> -> memref<4x64xi32, #tpu.memory_space<hbm>>
        tpu.wait_dma2 semaphore(%run_scoped3A : memref<!tpu.dma_semaphore, #tpu.memory_space<semaphore_mem>>) src(%dma_wait3A_143 : memref<4x64xi32, #tpu.memory_space<hbm>>) dst(%arg9 : memref<4x64xi32, #tpu.memory_space<vmem>>)
        tpu.yield
      }) : () -> ()
      %dma_wait3A_76 = arith.constant 0 : i32
      %dma_wait3A_77 = arith.constant 0 : i32
      %dma_wait3A_78 = tpu.memref_slice %arg8[%dma_wait3A_76, %dma_wait3A_77] : memref<4x64xi32, #tpu.memory_space<vmem>> -> memref<1x64xi32, #tpu.memory_space<vmem>>
      %dma_wait3A_79 = tpu.memref_squeeze %dma_wait3A_78 : memref<1x64xi32, #tpu.memory_space<vmem>> -> memref<64xi32, #tpu.memory_space<vmem>>
      %dma_wait3A_80 = arith.constant 0 : i32
      %dma_wait3A_81 = arith.constant 0 : i32
      %dma_wait3A_82 = tpu.memref_slice %arg2[%dma_wait3A_80, %dma_wait3A_81] : memref<10240x128xf32, #tpu.memory_space<hbm>> -> memref<10240x128xf32, #tpu.memory_space<hbm>>
      tpu.wait_indirect_dma semaphore(%arg16 : memref<!tpu.dma_semaphore, #tpu.memory_space<semaphore_mem>>) src(%dma_wait3A_82 : memref<10240x128xf32, #tpu.memory_space<hbm>>) dst(%arg11 : memref<64x128xf32, #tpu.memory_space<vmem>>)
      %dma_start3A_83 = arith.constant 0 : i32
      %dma_start3A_84 = arith.constant 0 : i32
      %dma_start3A_85 = tpu.memref_slice %arg9[%dma_start3A_83, %dma_start3A_84] : memref<4x64xi32, #tpu.memory_space<vmem>> -> memref<1x64xi32, #tpu.memory_space<vmem>>
      %dma_start3A_86 = tpu.memref_squeeze %dma_start3A_85 : memref<1x64xi32, #tpu.memory_space<vmem>> -> memref<64xi32, #tpu.memory_space<vmem>>
      %dma_start3A_87 = arith.constant 0 : i32
      %dma_start3A_88 = arith.constant 0 : i32
      %dma_start3A_89 = tpu.memref_slice %arg15[%dma_start3A_87, %dma_start3A_88] : memref<10240x128xf32, #tpu.memory_space<vmem_shared>> -> memref<10240x128xf32, #tpu.memory_space<vmem_shared>>
      tpu.enqueue_indirect_dma source(%arg11 : memref<64x128xf32, #tpu.memory_space<vmem>>) target(%dma_start3A_89 : memref<10240x128xf32, #tpu.memory_space<vmem_shared>>) offsets(%dma_start3A_86 : memref<64xi32, #tpu.memory_space<vmem>>) semaphore(%arg20 : memref<!tpu.dma_semaphore, #tpu.memory_space<semaphore_mem>>) {add = true}
      %dma_wait3A_90 = arith.constant 1 : i32
      %dma_wait3A_91 = arith.constant 0 : i32
      %dma_wait3A_92 = tpu.memref_slice %arg8[%dma_wait3A_90, %dma_wait3A_91] : memref<4x64xi32, #tpu.memory_space<vmem>> -> memref<1x64xi32, #tpu.memory_space<vmem>>
      %dma_wait3A_93 = tpu.memref_squeeze %dma_wait3A_92 : memref<1x64xi32, #tpu.memory_space<vmem>> -> memref<64xi32, #tpu.memory_space<vmem>>
      %dma_wait3A_94 = arith.constant 0 : i32
      %dma_wait3A_95 = arith.constant 0 : i32
      %dma_wait3A_96 = tpu.memref_slice %arg2[%dma_wait3A_94, %dma_wait3A_95] : memref<10240x128xf32, #tpu.memory_space<hbm>> -> memref<10240x128xf32, #tpu.memory_space<hbm>>
      tpu.wait_indirect_dma semaphore(%arg17 : memref<!tpu.dma_semaphore, #tpu.memory_space<semaphore_mem>>) src(%dma_wait3A_96 : memref<10240x128xf32, #tpu.memory_space<hbm>>) dst(%arg12 : memref<64x128xf32, #tpu.memory_space<vmem>>)
      %dma_start3A_97 = arith.constant 1 : i32
      %dma_start3A_98 = arith.constant 0 : i32
      %dma_start3A_99 = tpu.memref_slice %arg9[%dma_start3A_97, %dma_start3A_98] : memref<4x64xi32, #tpu.memory_space<vmem>> -> memref<1x64xi32, #tpu.memory_space<vmem>>
      %dma_start3A_100 = tpu.memref_squeeze %dma_start3A_99 : memref<1x64xi32, #tpu.memory_space<vmem>> -> memref<64xi32, #tpu.memory_space<vmem>>
      %dma_start3A_101 = arith.constant 0 : i32
      %dma_start3A_102 = arith.constant 0 : i32
      %dma_start3A_103 = tpu.memref_slice %arg15[%dma_start3A_101, %dma_start3A_102] : memref<10240x128xf32, #tpu.memory_space<vmem_shared>> -> memref<10240x128xf32, #tpu.memory_space<vmem_shared>>
      tpu.enqueue_indirect_dma source(%arg12 : memref<64x128xf32, #tpu.memory_space<vmem>>) target(%dma_start3A_103 : memref<10240x128xf32, #tpu.memory_space<vmem_shared>>) offsets(%dma_start3A_100 : memref<64xi32, #tpu.memory_space<vmem>>) semaphore(%arg21 : memref<!tpu.dma_semaphore, #tpu.memory_space<semaphore_mem>>) {add = true}
      %dma_wait3A_104 = arith.constant 2 : i32
      %dma_wait3A_105 = arith.constant 0 : i32
      %dma_wait3A_106 = tpu.memref_slice %arg8[%dma_wait3A_104, %dma_wait3A_105] : memref<4x64xi32, #tpu.memory_space<vmem>> -> memref<1x64xi32, #tpu.memory_space<vmem>>
      %dma_wait3A_107 = tpu.memref_squeeze %dma_wait3A_106 : memref<1x64xi32, #tpu.memory_space<vmem>> -> memref<64xi32, #tpu.memory_space<vmem>>
      %dma_wait3A_108 = arith.constant 0 : i32
      %dma_wait3A_109 = arith.constant 0 : i32
      %dma_wait3A_110 = tpu.memref_slice %arg2[%dma_wait3A_108, %dma_wait3A_109] : memref<10240x128xf32, #tpu.memory_space<hbm>> -> memref<10240x128xf32, #tpu.memory_space<hbm>>
      tpu.wait_indirect_dma semaphore(%arg18 : memref<!tpu.dma_semaphore, #tpu.memory_space<semaphore_mem>>) src(%dma_wait3A_110 : memref<10240x128xf32, #tpu.memory_space<hbm>>) dst(%arg13 : memref<64x128xf32, #tpu.memory_space<vmem>>)
      %dma_start3A_111 = arith.constant 2 : i32
      %dma_start3A_112 = arith.constant 0 : i32
      %dma_start3A_113 = tpu.memref_slice %arg9[%dma_start3A_111, %dma_start3A_112] : memref<4x64xi32, #tpu.memory_space<vmem>> -> memref<1x64xi32, #tpu.memory_space<vmem>>
      %dma_start3A_114 = tpu.memref_squeeze %dma_start3A_113 : memref<1x64xi32, #tpu.memory_space<vmem>> -> memref<64xi32, #tpu.memory_space<vmem>>
      %dma_start3A_115 = arith.constant 0 : i32
      %dma_start3A_116 = arith.constant 0 : i32
      %dma_start3A_117 = tpu.memref_slice %arg15[%dma_start3A_115, %dma_start3A_116] : memref<10240x128xf32, #tpu.memory_space<vmem_shared>> -> memref<10240x128xf32, #tpu.memory_space<vmem_shared>>
      tpu.enqueue_indirect_dma source(%arg13 : memref<64x128xf32, #tpu.memory_space<vmem>>) target(%dma_start3A_117 : memref<10240x128xf32, #tpu.memory_space<vmem_shared>>) offsets(%dma_start3A_114 : memref<64xi32, #tpu.memory_space<vmem>>) semaphore(%arg22 : memref<!tpu.dma_semaphore, #tpu.memory_space<semaphore_mem>>) {add = true}
      %dma_wait3A_118 = arith.constant 3 : i32
      %dma_wait3A_119 = arith.constant 0 : i32
      %dma_wait3A_120 = tpu.memref_slice %arg8[%dma_wait3A_118, %dma_wait3A_119] : memref<4x64xi32, #tpu.memory_space<vmem>> -> memref<1x64xi32, #tpu.memory_space<vmem>>
      %dma_wait3A_121 = tpu.memref_squeeze %dma_wait3A_120 : memref<1x64xi32, #tpu.memory_space<vmem>> -> memref<64xi32, #tpu.memory_space<vmem>>
      %dma_wait3A_122 = arith.constant 0 : i32
      %dma_wait3A_123 = arith.constant 0 : i32
      %dma_wait3A_124 = tpu.memref_slice %arg2[%dma_wait3A_122, %dma_wait3A_123] : memref<10240x128xf32, #tpu.memory_space<hbm>> -> memref<10240x128xf32, #tpu.memory_space<hbm>>
      tpu.wait_indirect_dma semaphore(%arg19 : memref<!tpu.dma_semaphore, #tpu.memory_space<semaphore_mem>>) src(%dma_wait3A_124 : memref<10240x128xf32, #tpu.memory_space<hbm>>) dst(%arg14 : memref<64x128xf32, #tpu.memory_space<vmem>>)
      %dma_start3A_125 = arith.constant 3 : i32
      %dma_start3A_126 = arith.constant 0 : i32
      %dma_start3A_127 = tpu.memref_slice %arg9[%dma_start3A_125, %dma_start3A_126] : memref<4x64xi32, #tpu.memory_space<vmem>> -> memref<1x64xi32, #tpu.memory_space<vmem>>
      %dma_start3A_128 = tpu.memref_squeeze %dma_start3A_127 : memref<1x64xi32, #tpu.memory_space<vmem>> -> memref<64xi32, #tpu.memory_space<vmem>>
      %dma_start3A_129 = arith.constant 0 : i32
      %dma_start3A_130 = arith.constant 0 : i32
      %dma_start3A_131 = tpu.memref_slice %arg15[%dma_start3A_129, %dma_start3A_130] : memref<10240x128xf32, #tpu.memory_space<vmem_shared>> -> memref<10240x128xf32, #tpu.memory_space<vmem_shared>>
      tpu.enqueue_indirect_dma source(%arg14 : memref<64x128xf32, #tpu.memory_space<vmem>>) target(%dma_start3A_131 : memref<10240x128xf32, #tpu.memory_space<vmem_shared>>) offsets(%dma_start3A_128 : memref<64xi32, #tpu.memory_space<vmem>>) semaphore(%arg23 : memref<!tpu.dma_semaphore, #tpu.memory_space<semaphore_mem>>) {add = true}
    }
    %scan3A_18 = arith.constant 40 : i32
    %dma_wait3A = arith.constant 0 : i32
    %dma_wait3A_19 = arith.constant 0 : i32
    %dma_wait3A_20 = tpu.memref_slice %arg15[%dma_wait3A, %dma_wait3A_19] : memref<10240x128xf32, #tpu.memory_space<vmem_shared>> -> memref<10240x128xf32, #tpu.memory_space<vmem_shared>>
    tpu.wait_indirect_dma semaphore(%arg20 : memref<!tpu.dma_semaphore, #tpu.memory_space<semaphore_mem>>) src(%arg11 : memref<64x128xf32, #tpu.memory_space<vmem>>) dst(%dma_wait3A_20 : memref<10240x128xf32, #tpu.memory_space<vmem_shared>>)
    %dma_wait3A_21 = arith.constant 0 : i32
    %dma_wait3A_22 = arith.constant 0 : i32
    %dma_wait3A_23 = tpu.memref_slice %arg15[%dma_wait3A_21, %dma_wait3A_22] : memref<10240x128xf32, #tpu.memory_space<vmem_shared>> -> memref<10240x128xf32, #tpu.memory_space<vmem_shared>>
    tpu.wait_indirect_dma semaphore(%arg21 : memref<!tpu.dma_semaphore, #tpu.memory_space<semaphore_mem>>) src(%arg12 : memref<64x128xf32, #tpu.memory_space<vmem>>) dst(%dma_wait3A_23 : memref<10240x128xf32, #tpu.memory_space<vmem_shared>>)
    %dma_wait3A_24 = arith.constant 0 : i32
    %dma_wait3A_25 = arith.constant 0 : i32
    %dma_wait3A_26 = tpu.memref_slice %arg15[%dma_wait3A_24, %dma_wait3A_25] : memref<10240x128xf32, #tpu.memory_space<vmem_shared>> -> memref<10240x128xf32, #tpu.memory_space<vmem_shared>>
    tpu.wait_indirect_dma semaphore(%arg22 : memref<!tpu.dma_semaphore, #tpu.memory_space<semaphore_mem>>) src(%arg13 : memref<64x128xf32, #tpu.memory_space<vmem>>) dst(%dma_wait3A_26 : memref<10240x128xf32, #tpu.memory_space<vmem_shared>>)
    %dma_wait3A_27 = arith.constant 0 : i32
    %dma_wait3A_28 = arith.constant 0 : i32
    %dma_wait3A_29 = tpu.memref_slice %arg15[%dma_wait3A_27, %dma_wait3A_28] : memref<10240x128xf32, #tpu.memory_space<vmem_shared>> -> memref<10240x128xf32, #tpu.memory_space<vmem_shared>>
    tpu.wait_indirect_dma semaphore(%arg23 : memref<!tpu.dma_semaphore, #tpu.memory_space<semaphore_mem>>) src(%arg14 : memref<64x128xf32, #tpu.memory_space<vmem>>) dst(%dma_wait3A_29 : memref<10240x128xf32, #tpu.memory_space<vmem_shared>>)
    %barrier3A_30 = arith.constant 0 : index
    tpu.barrier barrier_id(%barrier3A_30)
    %mul3A_31 = arith.constant 640 : i32
    %mul3A_32 = arith.muli %arg1, %mul3A_31 : i32
    "tpu.region"() ({
      %run_scoped3A = tpu.sem_alloc : memref<!tpu.dma_semaphore, #tpu.memory_space<semaphore_mem>>
      %dma_start3A_33 = arith.constant 0 : i32
      %dma_start3A_34 = tpu.memref_slice %arg7[%arg0, %mul3A_32, %dma_start3A_33] : memref<2x10240x128xf32, #tpu.memory_space<hbm>> -> memref<1x640x128xf32, #tpu.memory_space<hbm>>
      %dma_start3A_35 = tpu.memref_squeeze %dma_start3A_34 : memref<1x640x128xf32, #tpu.memory_space<hbm>> -> memref<640x128xf32, #tpu.memory_space<hbm>>
      %dma_start3A_36 = arith.constant 0 : i32
      %dma_start3A_37 = tpu.memref_slice %arg15[%mul3A_32, %dma_start3A_36] : memref<10240x128xf32, #tpu.memory_space<vmem_shared>> -> memref<640x128xf32, #tpu.memory_space<vmem_shared>>
      tpu.enqueue_dma source(%dma_start3A_37 : memref<640x128xf32, #tpu.memory_space<vmem_shared>>) target(%dma_start3A_35 : memref<640x128xf32, #tpu.memory_space<hbm>>) target_semaphore(%run_scoped3A : memref<!tpu.dma_semaphore, #tpu.memory_space<semaphore_mem>>)
      %dma_wait3A_38 = arith.constant 0 : i32
      %dma_wait3A_39 = tpu.memref_slice %arg7[%arg0, %mul3A_32, %dma_wait3A_38] : memref<2x10240x128xf32, #tpu.memory_space<hbm>> -> memref<1x640x128xf32, #tpu.memory_space<hbm>>
      %dma_wait3A_40 = tpu.memref_squeeze %dma_wait3A_39 : memref<1x640x128xf32, #tpu.memory_space<hbm>> -> memref<640x128xf32, #tpu.memory_space<hbm>>
      %dma_wait3A_41 = arith.constant 0 : i32
      %dma_wait3A_42 = tpu.memref_slice %arg15[%mul3A_32, %dma_wait3A_41] : memref<10240x128xf32, #tpu.memory_space<vmem_shared>> -> memref<640x128xf32, #tpu.memory_space<vmem_shared>>
      tpu.wait_dma2 semaphore(%run_scoped3A : memref<!tpu.dma_semaphore, #tpu.memory_space<semaphore_mem>>) src(%dma_wait3A_42 : memref<640x128xf32, #tpu.memory_space<vmem_shared>>) dst(%dma_wait3A_40 : memref<640x128xf32, #tpu.memory_space<hbm>>)
      tpu.yield
    }) : () -> ()
    return
  }
}

module attributes {stable_mosaic.version = 14 : i64} {
  func.func @_linear_body(%arg0: i32, %arg1: memref<1280x128xf32, #tpu.memory_space<vmem>>, %arg2: memref<128x128xf32, #tpu.memory_space<vmem>>, %arg3: memref<1280x256xf32, #tpu.memory_space<vmem>>, %arg4: memref<1280x128xf32, #tpu.memory_space<vmem>>) attributes {dimension_semantics = [#tpu.dimension_semantics<arbitrary>], iteration_bounds = array<i64: 8>, scalar_prefetch = 0 : i64, scratch_operands = 0 : i64, tpu.core_type = #tpu.core_type<tc>, window_params = [{transform_indices = @transform_0, window_bounds = array<i64: 1280, 128>}, {pipeline_mode = #tpu.pipeline_mode<synchronous>, transform_indices = @transform_1, window_bounds = array<i64: 128, 128>}, {transform_indices = @transform_2, window_bounds = array<i64: 1280, 256>}, {transform_indices = @transform_3, window_bounds = array<i64: 1280, 128>}]} {
    %get3A = arith.constant 0 : index
    %get3A_0 = arith.constant 0 : index
    %get3A_1 = vector.load %arg3[%get3A, %get3A_0] : memref<1280x256xf32, #tpu.memory_space<vmem>>, vector<1280x256xf32>
    %reduce_sum3A = arith.constant dense<0.000000e+00> : vector<1280xf32>
    %reduce_sum3A_2 = vector.multi_reduction <add>, %get3A_1, %reduce_sum3A [1] : vector<1280x256xf32> to vector<1280xf32>
    %broadcast_in_dim3A = vector.shape_cast %reduce_sum3A_2 : vector<1280xf32> to vector<1280x1xf32>
    %add3A = arith.constant 1.000000e+00 : f32
    %add3A_3 = vector.broadcast %add3A : f32 to vector<1280x1xf32>
    %add3A_4 = arith.addf %broadcast_in_dim3A, %add3A_3 : vector<1280x1xf32>
    %rsqrt3A = math.rsqrt %add3A_4 : vector<1280x1xf32>
    %get3A_5 = arith.constant 0 : index
    %get3A_6 = arith.constant 0 : index
    %get3A_7 = vector.load %arg1[%get3A_5, %get3A_6] : memref<1280x128xf32, #tpu.memory_space<vmem>>, vector<1280x128xf32>
    %get3A_8 = arith.constant 0 : index
    %get3A_9 = arith.constant 0 : index
    %get3A_10 = vector.load %arg2[%get3A_8, %get3A_9] : memref<128x128xf32, #tpu.memory_space<vmem>>, vector<128x128xf32>
    %dot_general3A = arith.constant dense<0.000000e+00> : vector<1280x128xf32>
    %dot_general3A_11 = tpu.matmul %get3A_7, %get3A_10, %dot_general3A {dimension_numbers = #tpu.dot_dimension_numbers<[1], [0], [0], [1], [0, 0, 1, 1], [], []>, transpose_lhs_hint = false} : vector<1280x128xf32>, vector<128x128xf32>, vector<1280x128xf32> -> vector<1280x128xf32>
    %mul3A = vector.broadcast %rsqrt3A : vector<1280x1xf32> to vector<1280x128xf32>
    %mul3A_12 = arith.mulf %dot_general3A_11, %mul3A : vector<1280x128xf32>
    %swap3A = arith.constant 0 : index
    %swap3A_13 = arith.constant 0 : index
    %swap3A_14 = vector.load %arg4[%swap3A, %swap3A_13] : memref<1280x128xf32, #tpu.memory_space<vmem>>, vector<1280x128xf32>
    tpu.vector_store %arg4[%swap3A, %swap3A_13], %mul3A_12 {strides = array<i32>} : memref<1280x128xf32, #tpu.memory_space<vmem>>, vector<1280x128xf32>,
    return
  }
  func.func @transform_0(%arg0: i32) -> (i32, i32) {
    %c0_i32 = arith.constant 0 : i32
    %c0_i32_0 = arith.constant 0 : i32
    return %arg0, %c0_i32 : i32, i32
  }
  func.func @transform_1(%arg0: i32) -> (i32, i32) {
    %c0_i32 = arith.constant 0 : i32
    %c0_i32_0 = arith.constant 0 : i32
    %c0_i32_1 = arith.constant 0 : i32
    return %c0_i32, %c0_i32_0 : i32, i32
  }
  func.func @transform_2(%arg0: i32) -> (i32, i32) {
    %c0_i32 = arith.constant 0 : i32
    %c0_i32_0 = arith.constant 0 : i32
    return %arg0, %c0_i32 : i32, i32
  }
  func.func @transform_3(%arg0: i32) -> (i32, i32) {
    %c0_i32 = arith.constant 0 : i32
    %c0_i32_0 = arith.constant 0 : i32
    return %arg0, %c0_i32 : i32, i32
  }
}

module attributes {stable_mosaic.version = 14 : i64} {
  func.func @_combine_body(%arg0: i32, %arg1: memref<2x1280x128xf32, #tpu.memory_space<vmem>>, %arg2: memref<1280x128xf32, #tpu.memory_space<vmem>>, %arg3: memref<1280x256xf32, #tpu.memory_space<vmem>>, %arg4: memref<1x128xf32, #tpu.memory_space<vmem>>, %arg5: memref<1280x128xf32, #tpu.memory_space<vmem>>) attributes {dimension_semantics = [#tpu.dimension_semantics<arbitrary>], iteration_bounds = array<i64: 8>, scalar_prefetch = 0 : i64, scratch_operands = 0 : i64, tpu.core_type = #tpu.core_type<tc>, window_params = [{transform_indices = @transform_0, window_bounds = array<i64: 2, 1280, 128>}, {transform_indices = @transform_1, window_bounds = array<i64: 1280, 128>}, {transform_indices = @transform_2, window_bounds = array<i64: 1280, 256>}, {pipeline_mode = #tpu.pipeline_mode<synchronous>, transform_indices = @transform_3, window_bounds = array<i64: 1, 128>}, {transform_indices = @transform_4, window_bounds = array<i64: 1280, 128>}]} {
    %get3A = arith.constant 0 : index
    %get3A_0 = arith.constant 0 : index
    %get3A_1 = vector.load %arg3[%get3A, %get3A_0] : memref<1280x256xf32, #tpu.memory_space<vmem>>, vector<1280x256xf32>
    %reduce_sum3A = arith.constant dense<0.000000e+00> : vector<1280xf32>
    %reduce_sum3A_2 = vector.multi_reduction <add>, %get3A_1, %reduce_sum3A [1] : vector<1280x256xf32> to vector<1280xf32>
    %broadcast_in_dim3A = vector.shape_cast %reduce_sum3A_2 : vector<1280xf32> to vector<1280x1xf32>
    %add3A = arith.constant 1.000000e+00 : f32
    %add3A_3 = vector.broadcast %add3A : f32 to vector<1280x1xf32>
    %add3A_4 = arith.addf %broadcast_in_dim3A, %add3A_3 : vector<1280x1xf32>
    %rsqrt3A = math.rsqrt %add3A_4 : vector<1280x1xf32>
    %get3A_5 = arith.constant 0 : index
    %get3A_6 = arith.constant 0 : index
    %get3A_7 = arith.constant 0 : index
    %get3A_8 = vector.load %arg1[%get3A_5, %get3A_6, %get3A_7] : memref<2x1280x128xf32, #tpu.memory_space<vmem>>, vector<1x1280x128xf32>
    %get3A_9 = vector.shape_cast %get3A_8 : vector<1x1280x128xf32> to vector<1280x128xf32>
    %get3A_10 = arith.constant 1 : index
    %get3A_11 = arith.constant 0 : index
    %get3A_12 = arith.constant 0 : index
    %get3A_13 = vector.load %arg1[%get3A_10, %get3A_11, %get3A_12] : memref<2x1280x128xf32, #tpu.memory_space<vmem>>, vector<1x1280x128xf32>
    %get3A_14 = vector.shape_cast %get3A_13 : vector<1x1280x128xf32> to vector<1280x128xf32>
    %add3A_15 = arith.addf %get3A_9, %get3A_14 : vector<1280x128xf32>
    %get3A_16 = arith.constant 0 : index
    %get3A_17 = arith.constant 0 : index
    %get3A_18 = vector.load %arg2[%get3A_16, %get3A_17] : memref<1280x128xf32, #tpu.memory_space<vmem>>, vector<1280x128xf32>
    %add3A_19 = arith.addf %add3A_15, %get3A_18 : vector<1280x128xf32>
    %mul3A = vector.broadcast %rsqrt3A : vector<1280x1xf32> to vector<1280x128xf32>
    %mul3A_20 = arith.mulf %add3A_19, %mul3A : vector<1280x128xf32>
    %get3A_21 = arith.constant 0 : index
    %get3A_22 = arith.constant 0 : index
    %get3A_23 = vector.load %arg4[%get3A_21, %get3A_22] : memref<1x128xf32, #tpu.memory_space<vmem>>, vector<1x128xf32>
    %add3A_24 = vector.broadcast %get3A_23 : vector<1x128xf32> to vector<1280x128xf32>
    %add3A_25 = arith.addf %mul3A_20, %add3A_24 : vector<1280x128xf32>
    %swap3A = arith.constant 0 : index
    %swap3A_26 = arith.constant 0 : index
    %swap3A_27 = vector.load %arg5[%swap3A, %swap3A_26] : memref<1280x128xf32, #tpu.memory_space<vmem>>, vector<1280x128xf32>
    tpu.vector_store %arg5[%swap3A, %swap3A_26], %add3A_25 {strides = array<i32>} : memref<1280x128xf32, #tpu.memory_space<vmem>>, vector<1280x128xf32>,
    return
  }
  func.func @transform_0(%arg0: i32) -> (i32, i32, i32) {
    %c0_i32 = arith.constant 0 : i32
    %c0_i32_0 = arith.constant 0 : i32
    %c0_i32_1 = arith.constant 0 : i32
    return %c0_i32, %arg0, %c0_i32_0 : i32, i32, i32
  }
  func.func @transform_1(%arg0: i32) -> (i32, i32) {
    %c0_i32 = arith.constant 0 : i32
    %c0_i32_0 = arith.constant 0 : i32
    return %arg0, %c0_i32 : i32, i32
  }
  func.func @transform_2(%arg0: i32) -> (i32, i32) {
    %c0_i32 = arith.constant 0 : i32
    %c0_i32_0 = arith.constant 0 : i32
    return %arg0, %c0_i32 : i32, i32
  }
  func.func @transform_3(%arg0: i32) -> (i32, i32) {
    %c0_i32 = arith.constant 0 : i32
    %c0_i32_0 = arith.constant 0 : i32
    %c0_i32_1 = arith.constant 0 : i32
    return %c0_i32, %c0_i32_0 : i32, i32
  }
  func.func @transform_4(%arg0: i32) -> (i32, i32) {
    %c0_i32 = arith.constant 0 : i32
    %c0_i32_0 = arith.constant 0 : i32
    return %arg0, %c0_i32 : i32, i32
  }
}

</mosaic_0001>

<sc_bundles>
// kernel: kernel.6.cloned.1.call-start
scs
__scs_entry_jumppad:
0x0: {  	(pc) =	sbr.rel $0x88, $3  }
0x1: {  	(tag) =	ssettag $0x0;
	lr =	simm.s32 $0x1  }
0x2: {  	[smem:$0x3F9D] =	sst lr;
	_ =	strace $0xD0000000  }
0x3: {  	_ = 	snop  }
0x4: {  	_ = 	snop  }
0x5: {  	_ = 	snop  }
0x6: {  	_ = 	snop  }
0x7: {  	_ = 	snop  }
__scs_overlays_trampoline_lowered:
0x8: {  	[smem:$0x3FAC] =	sst s0  }
0x9: {  	[smem:$0x3FAD] =	sst s1  }
0xa: {  	[smem:$0x3FAE] =	sst s2  }
0xb: {  	[smem:$0x3FAF] =	sst s3  }
0xc: {  	[smem:$0x3FB0] =	sst s4  }
0xd: {  	[smem:$0x3FB1] =	sst s5  }
0xe: {  	[smem:$0x3FB2] =	sst s6  }
0xf: {  	[smem:$0x3FB3] =	sst s7  }
0x10: {  	[smem:$0x3FB4] =	sst s8  }
0x11: {  	[smem:$0x3FB5] =	sst s9;
	s0 =	simm.s32 @!p0 $0x0  }
0x12: {  	s1 =	sld [smem:$0x3F9B];
	s0 =	simm.s32 @p0 $0x1  }
0x13: {  	[smem:$0x3FB6] =	sst s0;
	s0 =	simm.s32 @!p1 $0x0  }
0x14: {  	s2 =	sld [smem:$0x3F9A];
	s0 =	simm.s32 @p1 $0x1  }
0x15: {  	[smem:$0x3FB7] =	sst s0;
	s0 =	simm.s32 @!p2 $0x0  }
0x16: {  	s3 =	sld [smem:$0x3FDB];
	s0 =	simm.s32 @p2 $0x1  }
0x17: {  	s4 =	simm.s32 $0x1BF5;
	[smem:$0x3FB9] =	sst s0  }
0x18: {  	s0 =	sld [smem:$0x3F9C];
	_ =	swait.ge [sflag:s4], $0x0  }
0x19: {  	s7 =	sld [smem:$0x3F9D]  }
0x1a: {  	s8 =	sadd.s32 $0xFFFFE003, lr  }
0x1b: {  	s9 =	sadd.s32 $0xFFFFFEF7, lr;
	s5 =	simm.s32 $0xFFFFFFFF;
	p2 =	slt.u32 s8, $0xFFFFF086  }
0x1c: {  	p1 =	slt.u32 s9, $0xF7A;
	s5 =	simm.s32 @!p2 $0x0  }
0x1d: {  	s5 =	simm.s32 @p1 $0x1;
	p0 =	seq.s32 s7, s2  }
0x1e: {  	s7 =	smul.u32 @!p0 $0xF7A, s2;
	p2 =	seq.s32 @!p0 s5, $0x0  }
0x1f: {  	s9 =	smul.u32 $0xF7A, s1;
	s8 =	simm.s32 @!p0 $0x1BF5;
	p2 =	por !p2, p0  }
0x20: {  	[sflag:s8] =	ssyncset.s32 @!p0 $0xFFFFF086;
	s6 =	sadd.s32 @!p0 s3, s7;
	s7 =	simm.s32 @!p0 $0x108  }
0x21: {  	s3 =	sadd.s32 s3, s9;
	s6 =	sadd.s32 @!p0 $0x88, s6;
	s7 =	simm.s32 @p2 $0x1082  }
0x22: {  	[simem:s7], [sflag:s8] =	dma.local @!p0 [hbm:s6], $0xF7A  }
0x23: {  	s9 =	sor.u32 $0xD0000000, s2;
	s6 =	simm.s32 $0x108;
	_ =	swait.ge @!p0 [sflag:s8], $0x0  }
0x24: {  	s3 =	sadd.s32 $0x88, s3;
	s6 =	simm.s32 @!p1 $0x1082;
	[sflag:s4] =	ssyncset.s32 $0xFFFFF086  }
0x25: {  	[simem:s6], [sflag:s4] =	dma.local [hbm:s3], $0xF7A  }
0x26: {  	[smem:$0x3F9D] =	sst s1;
	(tag) =	ssettag s2;
	_ =	strace s9  }
0x27: {  	s1 =	sld [smem:$0x3FAD]  }
0x28: {  	s2 =	sld [smem:$0x3FAE]  }
0x29: {  	s4 =	sld [smem:$0x3FB0]  }
0x2a: {  	p0 =	seq.s32 s5, $0x0;
	s5 =	sld [smem:$0x3FB1]  }
0x2b: {  	s6 =	sld [smem:$0x3FB2]  }
0x2c: {  	s7 =	sld [smem:$0x3FB3]  }
0x2d: {  	s3 =	simm.s32 $0x108;
	s8 =	sld [smem:$0x3FB4]  }
0x2e: {  	s3 =	simm.s32 @!p0 $0x1082;
	s9 =	sld [smem:$0x3FB5]  }
0x2f: {  	lr =	sadd.s32 s0, s3;
	s0 =	sld [smem:$0x3FAC]  }
0x30: {  	s3 =	sld [smem:$0x3FAF]  }
0x31: {  	[smem:$0x3FB8] =	sst s10  }
0x32: {  	s10 =	sld [smem:$0x3FB6];
	_ =	sdelay $0x3  }
0x33: {  	p0 =	seq.s32 s10, $0x1;
	s10 =	sld [smem:$0x3FB8];
	_ =	sdelay $0x3  }
0x34: {  	[smem:$0x3FB8] =	sst s10  }
0x35: {  	s10 =	sld [smem:$0x3FB7];
	_ =	sdelay $0x3  }
0x36: {  	p1 =	seq.s32 s10, $0x1;
	s10 =	sld [smem:$0x3FB8];
	_ =	sdelay $0x3  }
0x37: {  	[smem:$0x3FB8] =	sst s10  }
0x38: {  	s10 =	sld [smem:$0x3FB9]  }
0x39: {  	_ = 	snop;
	(pc) =	sbr.ind lr, $3  }
0x3a: {  	_ = 	snop  }
0x3b: {  	_ = 	snop  }
0x3c: {  	p2 =	seq.s32 s10, $0x1;
	s10 =	sld [smem:$0x3FB8]  }
0x3d: {  	_ =	shalt  }
0x3e: {  	_ =	shalt  }
0x3f: {  	_ =	shalt  }
0x40: {  	_ =	shalt  }
0x41: {  	_ =	shalt  }
0x42: {  	_ =	shalt  }
0x43: {  	_ =	shalt  }
0x44: {  	_ =	shalt  }
0x45: {  	_ =	shalt  }
0x46: {  	_ =	shalt  }
0x47: {  	_ =	shalt  }
0x48: {  	_ =	shalt  }
0x49: {  	_ =	shalt  }
0x4a: {  	_ =	shalt  }
0x4b: {  	_ =	shalt  }
0x4c: {  	_ =	shalt  }
0x4d: {  	_ =	shalt  }
0x4e: {  	_ =	shalt  }
0x4f: {  	_ =	shalt  }
0x50: {  	_ =	shalt  }
0x51: {  	_ =	shalt  }
0x52: {  	_ =	shalt  }
0x53: {  	_ =	shalt  }
0x54: {  	_ =	shalt  }
0x55: {  	_ =	shalt  }
0x56: {  	_ =	shalt  }
0x57: {  	_ =	shalt  }
0x58: {  	_ =	shalt  }
0x59: {  	_ =	shalt  }
0x5a: {  	_ =	shalt  }
0x5b: {  	_ =	shalt  }
0x5c: {  	_ =	shalt  }
0x5d: {  	_ =	shalt  }
0x5e: {  	_ =	shalt  }
0x5f: {  	_ =	shalt  }
0x60: {  	_ =	shalt  }
0x61: {  	_ =	shalt  }
0x62: {  	_ =	shalt  }
0x63: {  	_ =	shalt  }
0x64: {  	_ =	shalt  }
0x65: {  	_ =	shalt  }
0x66: {  	_ =	shalt  }
0x67: {  	_ =	shalt  }
0x68: {  	_ =	shalt  }
0x69: {  	_ =	shalt  }
0x6a: {  	_ =	shalt  }
0x6b: {  	_ =	shalt  }
0x6c: {  	_ =	shalt  }
0x6d: {  	_ =	shalt  }
0x6e: {  	_ =	shalt  }
0x6f: {  	_ =	shalt  }
0x70: {  	_ =	shalt  }
0x71: {  	_ =	shalt  }
0x72: {  	_ =	shalt  }
0x73: {  	_ =	shalt  }
0x74: {  	_ =	shalt  }
0x75: {  	_ =	shalt  }
0x76: {  	_ =	shalt  }
0x77: {  	_ =	shalt  }
0x78: {  	_ =	shalt  }
0x79: {  	_ =	shalt  }
0x7a: {  	_ =	shalt  }
0x7b: {  	_ =	shalt  }
0x7c: {  	_ =	shalt  }
0x7d: {  	_ =	shalt  }
0x7e: {  	_ =	shalt  }
0x7f: {  	_ =	shalt  }
0x80: {  	_ =	shalt  }
0x81: {  	_ =	shalt  }
0x82: {  	_ =	shalt  }
0x83: {  	_ =	shalt  }
0x84: {  	_ =	shalt  }
0x85: {  	_ =	shalt  }
0x86: {  	_ =	shalt  }
0x87: {  	_ =	shalt  }
.Lfunc_end0:
.L_simem_size_0:
called_computation_lowered:
.L_overlay_start_0:
0x88: {  	s2 =	sld [smem:$0x3FD9]  }
0x89: {  	s3 =	sld [smem:$0x3FFE];
	_ =	sdelay $0x1  }
0x8a: {  	s1 =	srdreg.scid  }
0x8b: {  	s0 =	sand.u32 $0x1, s1  }
0x8c: {  	s16 =	sshll.u32 s0, $0xA;
	s2 =	sadd.s32 s3, s2  }
0x8d: {  	s2 =	sadd.s32 s2, s16  }
0x8e: {  	[smem:$0x3FC4] =	sst s2  }
0x8f: {  	_ = 	snop  }
0x90: {  	(tm) =	ssettm $0x1  }
0x91: {  	s17 =	sld [smem:$0x3FFB];
	_ =	sdelay $0x3  }
0x92: {  	_ =	strace s17  }
0x93: {  	s2 =	sld [smem:$0x3FFC];
	_ =	sdelay $0x3  }
0x94: {  	_ =	strace s2  }
0x95: {  	s2 =	sld [smem:$0x3FFD];
	_ =	sdelay $0x3  }
0x96: {  	_ =	strace s2  }
0x97: {  	_ =	strace $0x8FFFFFFF  }
0x98: {  	s18 =	sld [smem:$0x3FDB];
	_ =	sdelay $0x1  }
0x99: {  	s19 =	simm.s32 $_scs_section_size  }
0x9a: {  	s4 =	simm.s32 $_size__tile_overlayer_lowered;
	s5 =	simm.s32 $_tile_overlayer_lowered  }
0x9b: {  	s22 =	simm.s32 $0x1BFF;
	s21 =	sshll.u32 s5, $0x1;
	s2 =	sadd.s32 s19, s18  }
0x9c: {  	s6 =	simm.s32 $0x0;
	s20 =	sshll.u32 s4, $0x1;
	s4 =	sadd.s32 s21, s2  }
0x9d: {  	[timem:s6], [sflag:s22] =	dma.local [hbm:s4], s20  }
0x9e: {  	_ =	swait.ge [sflag:s22], s20  }
0x9f: {  	s3 =	ssub.s32 $0x0, s20;
	[sflag:s22] =	ssyncset.done $0x0  }
0xa0: {  	[sflag:s22] =	ssyncadd.s32 s3;
	_ =	sdelay $0x1  }
0xa1: {  	s23 =	simm.s32 $0x1B8B  }
0xa2: {  	_ =	swait.ge [sflag:s23], $0x1  }
0xa3: {  	[sflag:s23] =	ssyncset.done $0x0  }
0xa4: {  	s25 =	simm.s32 $0x1B8E;
	s24 =	sld [smem:$0x3FFE];
	[sflag:s23] =	ssyncadd.s32 $0xFFFFFFFF  }
0xa5: {  	s26 =	simm.s32 $execute0_lowered;
	[smem:$0x3FD2] =	sst s25  }
0xa6: {  	s4 =	sshll.u32 s26, $0x1;
	_ =	strace $0x80000046;
	[dreg:$0x1] =	wrdreg $0xFFFFFFFF  }
0xa7: {  	s28 =	simm.s32 $_size_execute0_lowered;
	s2 =	sadd.s32 s2, s4;
	[dreg:$0x0] =	wrdreg $0x0  }
0xa8: {  	s4 =	sshll.u32 s28, $0x1;
	[dreg:$0x2] =	wrdreg s2  }
0xa9: {  	[dreg:$0x3] =	wrdreg s4  }
0xaa: {  	[dreg:$0x4] =	wrdreg $0xC0  }
0xab: {  	_ =	task [dreg:s6], $0x5FFFF  }
0xac: {  	[dreg:$0x1] =	wrdreg $0xFFFFFFFF  }
0xad: {  	[dreg:$0x0] =	wrdreg $0x60  }
0xae: {  	[dreg:$0x2] =	wrdreg s24  }
0xaf: {  	[dreg:$0x3] =	wrdreg $0x9  }
0xb0: {  	_ =	task.clear_ibuf [dreg:s6], $0x4FFFF;
	_ =	strace $0x90000046  }
0xb1: {  	s29 =	simm.s32 $0x9;
	_ =	strace $0x80000048  }
0xb2: {  	_ =	swait.ge [sflag:s29], $0x1  }
0xb3: {  	[sflag:s29] =	ssyncadd.s32 $0xFFFFFFFF  }
0xb4: {  	_ =	strace $0x90000048  }
0xb5: {  	_ =	sfence  }
0xb6: {  	s30 =	sld [smem:$0x0];
	_ =	sdelay $0x2  }
0xb7: {  	s31 =	sshll.u32 s1, $0xD;
	s1 =	sshrl.u32 s1, $0x2  }
0xb8: {  	s3 =	sand.u32 $0x4000, s31;
	s1 =	sadd.s32 s1, s30  }
0xb9: {  	s0 =	sor.u32 s3, s0;
	s1 =	sshll.u32 s1, $0x11  }
0xba: {  	s0 =	sor.u32 s1, s0  }
0xbb: {  	s0 =	sadd.s32 $0x8F2B, s0  }
0xbc: {  	[sflag:s0] =	ssyncadd.remote.s32 $0x1  }
0xbd: {  	_ =	sfence.sel $0xFFFF  }
0xbe: {  	[dreg:$0x0] =	wrdreg $0xFFFFFFFF;
	(pc) =	sbr.abs _section_cstart, $3  }
0xbf: {  	[dreg:$0x1] =	wrdreg $0xFFFFFFFF  }
0xc0: {  	_ =	task.clear_ibuf [dreg:s6], $0x2FFFF;
	_ =	strace $0x9FFFFFFF  }
0xc1: {  	(tm) =	ssettm $0x7FFFFFFF  }
tec
execute0_lowered:
.L_overlay_start_1:
0x0: {  	(tag) =	ssettag $0x1  }
0x1: {  	s0 =	srdreg.scid  }
0x2: {  	s5 =	rddreg [dreg:$0x0];
	s4 =	sand.u32 $0x1, s0  }
0x3: {  	s2 =	simm.s32 $0x0;
	s0 =	stileid.u32;
	s1 =	sshll.u32 s4, $0x4  }
0x4: {  	s9 =	simm.s32 $0x1;
	s10 =	simm.s32 $0x80;
	s6 =	sor.u32 s0, s1  }
0x5: {  	s11 =	simm.s32 $0x400;
	s12 =	simm.s32 $0x0;
	s3 =	sshrl.u32 s6, $0x3  }
0x6: {  	[smem:$0x7FF] =	sst s2;
	s7 =	sshll.u32 s0, $0x7;
	s3 =	smul.u32 $0xA0000, s3  }
0x7: {  	s8 =	ssub.s32 $0x2, s4;
	s4 =	sadd.s32 $0xBC00, s5;
	s7 =	sand.u32 $0x380, s7  }
0x8: {  	s1 =	rddreg [dreg:$0x1];
	s31 =	sshrl.u32 s8, $0x1;
	s7 =	sor.u32 s7, s3  }
0x9: {  	_ =	strace $0x80000047;
	s8 =	ssub.s32 s8, s31;
	s7 =	sshrl.u32 s7, $0x3  }
0xa: {  	v0 =	vlaneseq.u32;
	s3 =	sadd.s32 $0x1C00, s5;
	s7 =	sadd.s32 s7, s5;
	s5 =	smul.u32 $0x2800, s6  }
0xb: {  	v1 =	vimm.f32 $1.000000000e+00;
	vm0 =	vcmask $0x3F20;
	v0 =	vand.u32 $0x7, v0;
	s6 =	sadd.s32 $0xE400, s7;
	s7 =	smax.u32 s8, $0x1;
	s8 =	simm.s32 $0x200  }
.LBB2_1:
0xc: {  	[tilespmem:s8], [sflag:$0x1] =	stream.linear.gather [hbm4b:s4+s2], $0x14000, $0x38;
	[tilespmem:$0x14200] =	vst v63  }
0xd: {  	_ =	swait.ge [sflag:s9], $0x14000  }
0xe: {  	[sflag:s9] =	ssyncset.done $0x0  }
0xf: {  	s13 =	simm.s32 $0x0;
	[sflag:s9] =	ssyncadd.s32 $0xFFFEC000  }
.LBB2_2:
0x10: {  	s14 =	sand.u32 $0x3C00, s13  }
0x11: {  	s15 =	sand.u32 $0x200, s13;
	s14 =	sadd.s32 s5, s14  }
0x12: {  	s14 =	sor.u32 s15, s14  }
0x13: {  	s14 =	sshrl.u32 s14, $0x3  }
0x14: {  	s14 =	sadd.s32 s3, s14  }
0x15: {  	[tilespmem:s2], [sflag:$0x1] =	stream.linear.gather [hbm4b:s14+s2], $0x200, $0x38;
	[tilespmem:$0x14200] =	vst v63  }
0x16: {  	_ =	swait.ge [sflag:s9], $0x200  }
0x17: {  	[sflag:s9] =	ssyncset.done $0x0  }
0x18: {  	[sflag:s9] =	ssyncadd.s32 $0xFFFFFE00  }
0x19: {  	v2 =	vld [tilespmem:$0x0];
	_ =	sdelay $0x4  }
0x1a: {  	v2 =	vshll.u32 v2, $0x3  }
0x1b: {  	v2 =	vor.u32 v0, v2;
	_ =	sdelay $0x4  }
0x1c: {  	[tilespmem:v2+s8+$0x0] =	vst.idx.add.f32.msk $0xff, v1  }
0x1d: {  	[tilespmem:v2+s8+$0x0] =	vst.idx.add.f32.msk vm0, v1  }
0x1e: {  	v2 =	vld [tilespmem:$0x10];
	_ =	sdelay $0x4  }
0x1f: {  	v2 =	vshll.u32 v2, $0x3  }
0x20: {  	v2 =	vor.u32 v0, v2;
	_ =	sdelay $0x4  }
0x21: {  	[tilespmem:v2+s8+$0x0] =	vst.idx.add.f32.msk $0xff, v1  }
0x22: {  	[tilespmem:v2+s8+$0x0] =	vst.idx.add.f32.msk vm0, v1  }
0x23: {  	v2 =	vld [tilespmem:$0x20];
	_ =	sdelay $0x4  }
0x24: {  	v2 =	vshll.u32 v2, $0x3  }
0x25: {  	v2 =	vor.u32 v0, v2;
	_ =	sdelay $0x4  }
0x26: {  	[tilespmem:v2+s8+$0x0] =	vst.idx.add.f32.msk $0xff, v1  }
0x27: {  	[tilespmem:v2+s8+$0x0] =	vst.idx.add.f32.msk vm0, v1  }
0x28: {  	v2 =	vld [tilespmem:$0x30];
	_ =	sdelay $0x4  }
0x29: {  	v2 =	vshll.u32 v2, $0x3  }
0x2a: {  	v2 =	vor.u32 v0, v2;
	_ =	sdelay $0x4  }
0x2b: {  	[tilespmem:v2+s8+$0x0] =	vst.idx.add.f32.msk $0xff, v1  }
0x2c: {  	[tilespmem:v2+s8+$0x0] =	vst.idx.add.f32.msk vm0, v1  }
0x2d: {  	v2 =	vld [tilespmem:$0x40];
	_ =	sdelay $0x4  }
0x2e: {  	v2 =	vshll.u32 v2, $0x3  }
0x2f: {  	v2 =	vor.u32 v0, v2;
	_ =	sdelay $0x4  }
0x30: {  	[tilespmem:v2+s8+$0x0] =	vst.idx.add.f32.msk $0xff, v1  }
0x31: {  	[tilespmem:v2+s8+$0x0] =	vst.idx.add.f32.msk vm0, v1  }
0x32: {  	v2 =	vld [tilespmem:$0x50];
	_ =	sdelay $0x4  }
0x33: {  	v2 =	vshll.u32 v2, $0x3  }
0x34: {  	v2 =	vor.u32 v0, v2;
	_ =	sdelay $0x4  }
0x35: {  	[tilespmem:v2+s8+$0x0] =	vst.idx.add.f32.msk $0xff, v1  }
0x36: {  	[tilespmem:v2+s8+$0x0] =	vst.idx.add.f32.msk vm0, v1  }
0x37: {  	v2 =	vld [tilespmem:$0x60];
	_ =	sdelay $0x4  }
0x38: {  	v2 =	vshll.u32 v2, $0x3  }
0x39: {  	v2 =	vor.u32 v0, v2;
	_ =	sdelay $0x4  }
0x3a: {  	[tilespmem:v2+s8+$0x0] =	vst.idx.add.f32.msk $0xff, v1  }
0x3b: {  	[tilespmem:v2+s8+$0x0] =	vst.idx.add.f32.msk vm0, v1  }
0x3c: {  	v2 =	vld [tilespmem:$0x70];
	_ =	sdelay $0x4  }
0x3d: {  	v2 =	vshll.u32 v2, $0x3  }
0x3e: {  	v2 =	vor.u32 v0, v2;
	_ =	sdelay $0x4  }
0x3f: {  	[tilespmem:v2+s8+$0x0] =	vst.idx.add.f32.msk $0xff, v1  }
0x40: {  	[tilespmem:v2+s8+$0x0] =	vst.idx.add.f32.msk vm0, v1  }
0x41: {  	v2 =	vld [tilespmem:$0x80];
	_ =	sdelay $0x4  }
0x42: {  	v2 =	vshll.u32 v2, $0x3  }
0x43: {  	v2 =	vor.u32 v0, v2;
	_ =	sdelay $0x4  }
0x44: {  	[tilespmem:v2+s8+$0x0] =	vst.idx.add.f32.msk $0xff, v1  }
0x45: {  	[tilespmem:v2+s8+$0x0] =	vst.idx.add.f32.msk vm0, v1  }
0x46: {  	v2 =	vld [tilespmem:$0x90];
	_ =	sdelay $0x4  }
0x47: {  	v2 =	vshll.u32 v2, $0x3  }
0x48: {  	v2 =	vor.u32 v0, v2;
	_ =	sdelay $0x4  }
0x49: {  	[tilespmem:v2+s8+$0x0] =	vst.idx.add.f32.msk $0xff, v1  }
0x4a: {  	[tilespmem:v2+s8+$0x0] =	vst.idx.add.f32.msk vm0, v1  }
0x4b: {  	v2 =	vld [tilespmem:$0xA0];
	_ =	sdelay $0x4  }
0x4c: {  	v2 =	vshll.u32 v2, $0x3  }
0x4d: {  	v2 =	vor.u32 v0, v2;
	_ =	sdelay $0x4  }
0x4e: {  	[tilespmem:v2+s8+$0x0] =	vst.idx.add.f32.msk $0xff, v1  }
0x4f: {  	[tilespmem:v2+s8+$0x0] =	vst.idx.add.f32.msk vm0, v1  }
0x50: {  	v2 =	vld [tilespmem:$0xB0];
	_ =	sdelay $0x4  }
0x51: {  	v2 =	vshll.u32 v2, $0x3  }
0x52: {  	v2 =	vor.u32 v0, v2;
	_ =	sdelay $0x4  }
0x53: {  	[tilespmem:v2+s8+$0x0] =	vst.idx.add.f32.msk $0xff, v1  }
0x54: {  	[tilespmem:v2+s8+$0x0] =	vst.idx.add.f32.msk vm0, v1  }
0x55: {  	v2 =	vld [tilespmem:$0xC0];
	_ =	sdelay $0x4  }
0x56: {  	v2 =	vshll.u32 v2, $0x3  }
0x57: {  	v2 =	vor.u32 v0, v2;
	_ =	sdelay $0x4  }
0x58: {  	[tilespmem:v2+s8+$0x0] =	vst.idx.add.f32.msk $0xff, v1  }
0x59: {  	[tilespmem:v2+s8+$0x0] =	vst.idx.add.f32.msk vm0, v1  }
0x5a: {  	v2 =	vld [tilespmem:$0xD0];
	_ =	sdelay $0x4  }
0x5b: {  	v2 =	vshll.u32 v2, $0x3  }
0x5c: {  	v2 =	vor.u32 v0, v2;
	_ =	sdelay $0x4  }
0x5d: {  	[tilespmem:v2+s8+$0x0] =	vst.idx.add.f32.msk $0xff, v1  }
0x5e: {  	[tilespmem:v2+s8+$0x0] =	vst.idx.add.f32.msk vm0, v1  }
0x5f: {  	v2 =	vld [tilespmem:$0xE0];
	_ =	sdelay $0x4  }
0x60: {  	v2 =	vshll.u32 v2, $0x3  }
0x61: {  	v2 =	vor.u32 v0, v2;
	_ =	sdelay $0x4  }
0x62: {  	[tilespmem:v2+s8+$0x0] =	vst.idx.add.f32.msk $0xff, v1  }
0x63: {  	[tilespmem:v2+s8+$0x0] =	vst.idx.add.f32.msk vm0, v1  }
0x64: {  	v2 =	vld [tilespmem:$0xF0];
	_ =	sdelay $0x4  }
0x65: {  	v2 =	vshll.u32 v2, $0x3  }
0x66: {  	v2 =	vor.u32 v0, v2;
	_ =	sdelay $0x4  }
0x67: {  	[tilespmem:v2+s8+$0x0] =	vst.idx.add.f32.msk $0xff, v1  }
0x68: {  	[tilespmem:v2+s8+$0x0] =	vst.idx.add.f32.msk vm0, v1  }
0x69: {  	v2 =	vld [tilespmem:$0x100];
	_ =	sdelay $0x4  }
0x6a: {  	v2 =	vshll.u32 v2, $0x3  }
0x6b: {  	v2 =	vor.u32 v0, v2;
	_ =	sdelay $0x4  }
0x6c: {  	[tilespmem:v2+s8+$0x0] =	vst.idx.add.f32.msk $0xff, v1  }
0x6d: {  	[tilespmem:v2+s8+$0x0] =	vst.idx.add.f32.msk vm0, v1  }
0x6e: {  	v2 =	vld [tilespmem:$0x110];
	_ =	sdelay $0x4  }
0x6f: {  	v2 =	vshll.u32 v2, $0x3  }
0x70: {  	v2 =	vor.u32 v0, v2;
	_ =	sdelay $0x4  }
0x71: {  	[tilespmem:v2+s8+$0x0] =	vst.idx.add.f32.msk $0xff, v1  }
0x72: {  	[tilespmem:v2+s8+$0x0] =	vst.idx.add.f32.msk vm0, v1  }
0x73: {  	v2 =	vld [tilespmem:$0x120];
	_ =	sdelay $0x4  }
0x74: {  	v2 =	vshll.u32 v2, $0x3  }
0x75: {  	v2 =	vor.u32 v0, v2;
	_ =	sdelay $0x4  }
0x76: {  	[tilespmem:v2+s8+$0x0] =	vst.idx.add.f32.msk $0xff, v1  }
0x77: {  	[tilespmem:v2+s8+$0x0] =	vst.idx.add.f32.msk vm0, v1  }
0x78: {  	v2 =	vld [tilespmem:$0x130];
	_ =	sdelay $0x4  }
0x79: {  	v2 =	vshll.u32 v2, $0x3  }
0x7a: {  	v2 =	vor.u32 v0, v2;
	_ =	sdelay $0x4  }
0x7b: {  	[tilespmem:v2+s8+$0x0] =	vst.idx.add.f32.msk $0xff, v1  }
0x7c: {  	[tilespmem:v2+s8+$0x0] =	vst.idx.add.f32.msk vm0, v1  }
0x7d: {  	v2 =	vld [tilespmem:$0x140];
	_ =	sdelay $0x4  }
0x7e: {  	v2 =	vshll.u32 v2, $0x3  }
0x7f: {  	v2 =	vor.u32 v0, v2;
	_ =	sdelay $0x4  }
0x80: {  	[tilespmem:v2+s8+$0x0] =	vst.idx.add.f32.msk $0xff, v1  }
0x81: {  	[tilespmem:v2+s8+$0x0] =	vst.idx.add.f32.msk vm0, v1  }
0x82: {  	v2 =	vld [tilespmem:$0x150];
	_ =	sdelay $0x4  }
0x83: {  	v2 =	vshll.u32 v2, $0x3  }
0x84: {  	v2 =	vor.u32 v0, v2;
	_ =	sdelay $0x4  }
0x85: {  	[tilespmem:v2+s8+$0x0] =	vst.idx.add.f32.msk $0xff, v1  }
0x86: {  	[tilespmem:v2+s8+$0x0] =	vst.idx.add.f32.msk vm0, v1  }
0x87: {  	v2 =	vld [tilespmem:$0x160];
	_ =	sdelay $0x4  }
0x88: {  	v2 =	vshll.u32 v2, $0x3  }
0x89: {  	v2 =	vor.u32 v0, v2;
	_ =	sdelay $0x4  }
0x8a: {  	[tilespmem:v2+s8+$0x0] =	vst.idx.add.f32.msk $0xff, v1  }
0x8b: {  	[tilespmem:v2+s8+$0x0] =	vst.idx.add.f32.msk vm0, v1  }
0x8c: {  	v2 =	vld [tilespmem:$0x170];
	_ =	sdelay $0x4  }
0x8d: {  	v2 =	vshll.u32 v2, $0x3  }
0x8e: {  	v2 =	vor.u32 v0, v2;
	_ =	sdelay $0x4  }
0x8f: {  	[tilespmem:v2+s8+$0x0] =	vst.idx.add.f32.msk $0xff, v1  }
0x90: {  	[tilespmem:v2+s8+$0x0] =	vst.idx.add.f32.msk vm0, v1  }
0x91: {  	v2 =	vld [tilespmem:$0x180];
	_ =	sdelay $0x4  }
0x92: {  	v2 =	vshll.u32 v2, $0x3  }
0x93: {  	v2 =	vor.u32 v0, v2;
	_ =	sdelay $0x4  }
0x94: {  	[tilespmem:v2+s8+$0x0] =	vst.idx.add.f32.msk $0xff, v1  }
0x95: {  	[tilespmem:v2+s8+$0x0] =	vst.idx.add.f32.msk vm0, v1  }
0x96: {  	v2 =	vld [tilespmem:$0x190];
	_ =	sdelay $0x4  }
0x97: {  	v2 =	vshll.u32 v2, $0x3  }
0x98: {  	v2 =	vor.u32 v0, v2;
	_ =	sdelay $0x4  }
0x99: {  	[tilespmem:v2+s8+$0x0] =	vst.idx.add.f32.msk $0xff, v1  }
0x9a: {  	[tilespmem:v2+s8+$0x0] =	vst.idx.add.f32.msk vm0, v1  }
0x9b: {  	v2 =	vld [tilespmem:$0x1A0];
	_ =	sdelay $0x4  }
0x9c: {  	v2 =	vshll.u32 v2, $0x3  }
0x9d: {  	v2 =	vor.u32 v0, v2;
	_ =	sdelay $0x4  }
0x9e: {  	[tilespmem:v2+s8+$0x0] =	vst.idx.add.f32.msk $0xff, v1  }
0x9f: {  	[tilespmem:v2+s8+$0x0] =	vst.idx.add.f32.msk vm0, v1  }
0xa0: {  	v2 =	vld [tilespmem:$0x1B0];
	_ =	sdelay $0x4  }
0xa1: {  	v2 =	vshll.u32 v2, $0x3  }
0xa2: {  	v2 =	vor.u32 v0, v2;
	_ =	sdelay $0x4  }
0xa3: {  	[tilespmem:v2+s8+$0x0] =	vst.idx.add.f32.msk $0xff, v1  }
0xa4: {  	[tilespmem:v2+s8+$0x0] =	vst.idx.add.f32.msk vm0, v1  }
0xa5: {  	v2 =	vld [tilespmem:$0x1C0];
	_ =	sdelay $0x4  }
0xa6: {  	v2 =	vshll.u32 v2, $0x3  }
0xa7: {  	v2 =	vor.u32 v0, v2;
	_ =	sdelay $0x4  }
0xa8: {  	[tilespmem:v2+s8+$0x0] =	vst.idx.add.f32.msk $0xff, v1  }
0xa9: {  	[tilespmem:v2+s8+$0x0] =	vst.idx.add.f32.msk vm0, v1  }
0xaa: {  	v2 =	vld [tilespmem:$0x1D0];
	_ =	sdelay $0x4  }
0xab: {  	v2 =	vshll.u32 v2, $0x3  }
0xac: {  	v2 =	vor.u32 v0, v2;
	_ =	sdelay $0x4  }
0xad: {  	[tilespmem:v2+s8+$0x0] =	vst.idx.add.f32.msk $0xff, v1  }
0xae: {  	[tilespmem:v2+s8+$0x0] =	vst.idx.add.f32.msk vm0, v1  }
0xaf: {  	v2 =	vld [tilespmem:$0x1E0];
	_ =	sdelay $0x4  }
0xb0: {  	v2 =	vshll.u32 v2, $0x3  }
0xb1: {  	v2 =	vor.u32 v0, v2;
	_ =	sdelay $0x4  }
0xb2: {  	[tilespmem:v2+s8+$0x0] =	vst.idx.add.f32.msk $0xff, v1  }
0xb3: {  	[tilespmem:v2+s8+$0x0] =	vst.idx.add.f32.msk vm0, v1  }
0xb4: {  	v2 =	vld [tilespmem:$0x1F0];
	_ =	sdelay $0x4  }
0xb5: {  	v2 =	vshll.u32 v2, $0x3  }
0xb6: {  	v2 =	vor.u32 v0, v2  }
0xb7: {  	p0 =	sne.s32 s13, $0x2600  }
.Ltmp0:
0xb8: {  	_ = 	snop;
	(pc) =	sbr.rel @p0 .LBB2_2-.Ltmp0, $3  }
0xb9: {  	_ =	sdelay $0x1  }
0xba: {  	[tilespmem:v2+s8+$0x0] =	vst.idx.add.f32.msk $0xff, v1  }
0xbb: {  	s13 =	sadd.s32 $0x200, s13;
	[tilespmem:v2+s8+$0x0] =	vst.idx.add.f32.msk vm0, v1  }
0xbc: {  	s12 =	sadd.s32 $0x1, s12  }
0xbd: {  	p0 =	sne.s32 s12, s7  }
.Ltmp1:
0xbe: {  	_ = 	snop;
	(pc) =	sbr.rel @p0 .LBB2_1-.Ltmp1, $4  }
0xbf: {  	[hbm4b:s6+s10] =	stream.strided.scatter [tilespmem:s8], [sflag:$0x1], $0x14000, s11, s10, $0x38;
	[tilespmem:$0x14200] =	vst v63  }
0xc0: {  	_ =	swait.ge [sflag:s9], $0x14000  }
0xc1: {  	[sflag:s9] =	ssyncset.done $0x0  }
0xc2: {  	[sflag:s9] =	ssyncadd.s32 $0xFFFEC000  }
0xc3: {  	_ =	sfence.sel $0x180000  }
0xc4: {  	[bflag:$0x0] =	sbarrier.arrive $0xFFFF  }
0xc5: {  	p0 =	sne.s32 s0, $0x0;
	_ =	strace $0x90000047  }
0xc6: {  	s0 =	sadd.s32 @!p0 $0x100000, s1;
	[bflag:$0x2] =	sbarrier.arrive $0xFFFF  }
0xc7: {  	[sflag:s0] =	ssyncadd.tile.s32 @!p0 $0x1;
	_ =	shalt  }
.Lfunc_end2:
_tile_overlayer_lowered:
.L_overlay_start_2:
0xc8: {  	(tag) =	ssettag $0x2  }
0xc9: {  	s0 =	rddreg [dreg:$0x0];
	s2 =	stileid.u32  }
0xca: {  	s1 =	rddreg [dreg:$0x1];
	p0 =	sne.s32 s2, $0x0  }
0xcb: {  	s3 =	rddreg [dreg:$0x2];
	[bflag:$0x3] =	sbarrier.arrive $0xFFFF;
	s2 =	simm.s32 @!p0 $0x1C01  }
0xcc: {  	[timem:s3], [sflag:s2] =	dma.local @!p0 [hbm:s0], s1  }
0xcd: {  	s0 =	simm.s32 @!p0 $0x1  }
0xce: {  	_ =	swait.ge @!p0 [sflag:s0], s1  }
0xcf: {  	s1 =	ssub.s32 @!p0 $0x0, s1;
	[sflag:s0] =	ssyncset.done @!p0 $0x0  }
0xd0: {  	[sflag:s0] =	ssyncadd.s32 @!p0 s1  }
0xd1: {  	[bflag:$0x3] =	sbarrier.arrive $0xFFFF  }
0xd2: {  	_ =	shalt  }

// kernel: kernel.9.cloned.1.call-start
scs
__scs_entry_jumppad:
0x0: {  	(pc) =	sbr.rel $0x88, $3  }
0x1: {  	(tag) =	ssettag $0x0;
	lr =	simm.s32 $0x1  }
0x2: {  	[smem:$0x3F9D] =	sst lr;
	_ =	strace $0xD0000000  }
0x3: {  	_ = 	snop  }
0x4: {  	_ = 	snop  }
0x5: {  	_ = 	snop  }
0x6: {  	_ = 	snop  }
0x7: {  	_ = 	snop  }
__scs_overlays_trampoline_lowered:
0x8: {  	[smem:$0x3FAC] =	sst s0  }
0x9: {  	[smem:$0x3FAD] =	sst s1  }
0xa: {  	[smem:$0x3FAE] =	sst s2  }
0xb: {  	[smem:$0x3FAF] =	sst s3  }
0xc: {  	[smem:$0x3FB0] =	sst s4  }
0xd: {  	[smem:$0x3FB1] =	sst s5  }
0xe: {  	[smem:$0x3FB2] =	sst s6  }
0xf: {  	[smem:$0x3FB3] =	sst s7  }
0x10: {  	[smem:$0x3FB4] =	sst s8  }
0x11: {  	[smem:$0x3FB5] =	sst s9;
	s0 =	simm.s32 @!p0 $0x0  }
0x12: {  	s1 =	sld [smem:$0x3F9B];
	s0 =	simm.s32 @p0 $0x1  }
0x13: {  	[smem:$0x3FB6] =	sst s0;
	s0 =	simm.s32 @!p1 $0x0  }
0x14: {  	s2 =	sld [smem:$0x3F9A];
	s0 =	simm.s32 @p1 $0x1  }
0x15: {  	[smem:$0x3FB7] =	sst s0;
	s0 =	simm.s32 @!p2 $0x0  }
0x16: {  	s3 =	sld [smem:$0x3FDB];
	s0 =	simm.s32 @p2 $0x1  }
0x17: {  	s4 =	simm.s32 $0x1BF5;
	[smem:$0x3FB9] =	sst s0  }
0x18: {  	s0 =	sld [smem:$0x3F9C];
	_ =	swait.ge [sflag:s4], $0x0  }
0x19: {  	s7 =	sld [smem:$0x3F9D]  }
0x1a: {  	s8 =	sadd.s32 $0xFFFFE003, lr  }
0x1b: {  	s9 =	sadd.s32 $0xFFFFFEF7, lr;
	s5 =	simm.s32 $0xFFFFFFFF;
	p2 =	slt.u32 s8, $0xFFFFF086  }
0x1c: {  	p1 =	slt.u32 s9, $0xF7A;
	s5 =	simm.s32 @!p2 $0x0  }
0x1d: {  	s5 =	simm.s32 @p1 $0x1;
	p0 =	seq.s32 s7, s2  }
0x1e: {  	s7 =	smul.u32 @!p0 $0xF7A, s2;
	p2 =	seq.s32 @!p0 s5, $0x0  }
0x1f: {  	s9 =	smul.u32 $0xF7A, s1;
	s8 =	simm.s32 @!p0 $0x1BF5;
	p2 =	por !p2, p0  }
0x20: {  	[sflag:s8] =	ssyncset.s32 @!p0 $0xFFFFF086;
	s6 =	sadd.s32 @!p0 s3, s7;
	s7 =	simm.s32 @!p0 $0x108  }
0x21: {  	s3 =	sadd.s32 s3, s9;
	s6 =	sadd.s32 @!p0 $0x88, s6;
	s7 =	simm.s32 @p2 $0x1082  }
0x22: {  	[simem:s7], [sflag:s8] =	dma.local @!p0 [hbm:s6], $0xF7A  }
0x23: {  	s9 =	sor.u32 $0xD0000000, s2;
	s6 =	simm.s32 $0x108;
	_ =	swait.ge @!p0 [sflag:s8], $0x0  }
0x24: {  	s3 =	sadd.s32 $0x88, s3;
	s6 =	simm.s32 @!p1 $0x1082;
	[sflag:s4] =	ssyncset.s32 $0xFFFFF086  }
0x25: {  	[simem:s6], [sflag:s4] =	dma.local [hbm:s3], $0xF7A  }
0x26: {  	[smem:$0x3F9D] =	sst s1;
	(tag) =	ssettag s2;
	_ =	strace s9  }
0x27: {  	s1 =	sld [smem:$0x3FAD]  }
0x28: {  	s2 =	sld [smem:$0x3FAE]  }
0x29: {  	s4 =	sld [smem:$0x3FB0]  }
0x2a: {  	p0 =	seq.s32 s5, $0x0;
	s5 =	sld [smem:$0x3FB1]  }
0x2b: {  	s6 =	sld [smem:$0x3FB2]  }
0x2c: {  	s7 =	sld [smem:$0x3FB3]  }
0x2d: {  	s3 =	simm.s32 $0x108;
	s8 =	sld [smem:$0x3FB4]  }
0x2e: {  	s3 =	simm.s32 @!p0 $0x1082;
	s9 =	sld [smem:$0x3FB5]  }
0x2f: {  	lr =	sadd.s32 s0, s3;
	s0 =	sld [smem:$0x3FAC]  }
0x30: {  	s3 =	sld [smem:$0x3FAF]  }
0x31: {  	[smem:$0x3FB8] =	sst s10  }
0x32: {  	s10 =	sld [smem:$0x3FB6];
	_ =	sdelay $0x3  }
0x33: {  	p0 =	seq.s32 s10, $0x1;
	s10 =	sld [smem:$0x3FB8];
	_ =	sdelay $0x3  }
0x34: {  	[smem:$0x3FB8] =	sst s10  }
0x35: {  	s10 =	sld [smem:$0x3FB7];
	_ =	sdelay $0x3  }
0x36: {  	p1 =	seq.s32 s10, $0x1;
	s10 =	sld [smem:$0x3FB8];
	_ =	sdelay $0x3  }
0x37: {  	[smem:$0x3FB8] =	sst s10  }
0x38: {  	s10 =	sld [smem:$0x3FB9]  }
0x39: {  	_ = 	snop;
	(pc) =	sbr.ind lr, $3  }
0x3a: {  	_ = 	snop  }
0x3b: {  	_ = 	snop  }
0x3c: {  	p2 =	seq.s32 s10, $0x1;
	s10 =	sld [smem:$0x3FB8]  }
0x3d: {  	_ =	shalt  }
0x3e: {  	_ =	shalt  }
0x3f: {  	_ =	shalt  }
0x40: {  	_ =	shalt  }
0x41: {  	_ =	shalt  }
0x42: {  	_ =	shalt  }
0x43: {  	_ =	shalt  }
0x44: {  	_ =	shalt  }
0x45: {  	_ =	shalt  }
0x46: {  	_ =	shalt  }
0x47: {  	_ =	shalt  }
0x48: {  	_ =	shalt  }
0x49: {  	_ =	shalt  }
0x4a: {  	_ =	shalt  }
0x4b: {  	_ =	shalt  }
0x4c: {  	_ =	shalt  }
0x4d: {  	_ =	shalt  }
0x4e: {  	_ =	shalt  }
0x4f: {  	_ =	shalt  }
0x50: {  	_ =	shalt  }
0x51: {  	_ =	shalt  }
0x52: {  	_ =	shalt  }
0x53: {  	_ =	shalt  }
0x54: {  	_ =	shalt  }
0x55: {  	_ =	shalt  }
0x56: {  	_ =	shalt  }
0x57: {  	_ =	shalt  }
0x58: {  	_ =	shalt  }
0x59: {  	_ =	shalt  }
0x5a: {  	_ =	shalt  }
0x5b: {  	_ =	shalt  }
0x5c: {  	_ =	shalt  }
0x5d: {  	_ =	shalt  }
0x5e: {  	_ =	shalt  }
0x5f: {  	_ =	shalt  }
0x60: {  	_ =	shalt  }
0x61: {  	_ =	shalt  }
0x62: {  	_ =	shalt  }
0x63: {  	_ =	shalt  }
0x64: {  	_ =	shalt  }
0x65: {  	_ =	shalt  }
0x66: {  	_ =	shalt  }
0x67: {  	_ =	shalt  }
0x68: {  	_ =	shalt  }
0x69: {  	_ =	shalt  }
0x6a: {  	_ =	shalt  }
0x6b: {  	_ =	shalt  }
0x6c: {  	_ =	shalt  }
0x6d: {  	_ =	shalt  }
0x6e: {  	_ =	shalt  }
0x6f: {  	_ =	shalt  }
0x70: {  	_ =	shalt  }
0x71: {  	_ =	shalt  }
0x72: {  	_ =	shalt  }
0x73: {  	_ =	shalt  }
0x74: {  	_ =	shalt  }
0x75: {  	_ =	shalt  }
0x76: {  	_ =	shalt  }
0x77: {  	_ =	shalt  }
0x78: {  	_ =	shalt  }
0x79: {  	_ =	shalt  }
0x7a: {  	_ =	shalt  }
0x7b: {  	_ =	shalt  }
0x7c: {  	_ =	shalt  }
0x7d: {  	_ =	shalt  }
0x7e: {  	_ =	shalt  }
0x7f: {  	_ =	shalt  }
0x80: {  	_ =	shalt  }
0x81: {  	_ =	shalt  }
0x82: {  	_ =	shalt  }
0x83: {  	_ =	shalt  }
0x84: {  	_ =	shalt  }
0x85: {  	_ =	shalt  }
0x86: {  	_ =	shalt  }
0x87: {  	_ =	shalt  }
.Lfunc_end0:
.L_simem_size_0:
called_computation.1_lowered:
.L_overlay_start_0:
0x88: {  	s2 =	sld [smem:$0x3FD9]  }
0x89: {  	s3 =	sld [smem:$0x3FFE];
	_ =	sdelay $0x1  }
0x8a: {  	s1 =	srdreg.scid  }
0x8b: {  	s0 =	sand.u32 $0x1, s1  }
0x8c: {  	s17 =	sshll.u32 s0, $0xA;
	s2 =	sadd.s32 s3, s2  }
0x8d: {  	s2 =	sadd.s32 s2, s17  }
0x8e: {  	[smem:$0x3FC4] =	sst s2  }
0x8f: {  	_ = 	snop  }
0x90: {  	s2 =	sld [smem:$0x3FD0];
	(tm) =	ssettm $0x1  }
0x91: {  	s18 =	sld [smem:$0x3FFB];
	_ =	sdelay $0x3  }
0x92: {  	_ =	strace s18  }
0x93: {  	s3 =	sld [smem:$0x3FFC];
	_ =	sdelay $0x3  }
0x94: {  	_ =	strace s3  }
0x95: {  	s3 =	sld [smem:$0x3FFD];
	_ =	sdelay $0x3  }
0x96: {  	_ =	strace s3  }
0x97: {  	_ =	strace $0x8FFFFFFF  }
0x98: {  	s19 =	sld [smem:$0x3FDB];
	_ =	sdelay $0x1  }
0x99: {  	s4 =	simm.s32 $_scs_section_size  }
0x9a: {  	s5 =	simm.s32 $_size__tile_overlayer_lowered;
	s6 =	simm.s32 $_tile_overlayer_lowered  }
0x9b: {  	s22 =	simm.s32 $0x1BFF;
	s21 =	sshll.u32 s6, $0x1;
	s3 =	sadd.s32 s4, s19  }
0x9c: {  	s7 =	simm.s32 $0x0;
	s20 =	sshll.u32 s5, $0x1;
	s5 =	sadd.s32 s21, s3  }
0x9d: {  	[timem:s7], [sflag:s22] =	dma.local [hbm:s5], s20  }
0x9e: {  	_ =	swait.ge [sflag:s22], s20  }
0x9f: {  	s4 =	ssub.s32 $0x0, s20;
	[sflag:s22] =	ssyncset.done $0x0  }
0xa0: {  	[sflag:s22] =	ssyncadd.s32 s4;
	_ =	sdelay $0x1  }
0xa1: {  	s23 =	simm.s32 $0x1B8B  }
0xa2: {  	_ =	swait.ge [sflag:s23], $0x1  }
0xa3: {  	[sflag:s23] =	ssyncset.done $0x0  }
0xa4: {  	s25 =	simm.s32 $0x1B8E;
	s24 =	sld [smem:$0x3FFE];
	[sflag:s23] =	ssyncadd.s32 $0xFFFFFFFF  }
0xa5: {  	s26 =	simm.s32 $execute0_lowered;
	[smem:$0x3FD2] =	sst s25  }
0xa6: {  	s5 =	sshll.u32 s26, $0x1;
	_ =	strace $0x80000049;
	[dreg:$0x1] =	wrdreg $0xFFFFFFFF  }
0xa7: {  	s28 =	simm.s32 $_size_execute0_lowered;
	s3 =	sadd.s32 s3, s5;
	[dreg:$0x0] =	wrdreg $0x0  }
0xa8: {  	s5 =	sshll.u32 s28, $0x1;
	[dreg:$0x2] =	wrdreg s3  }
0xa9: {  	[dreg:$0x3] =	wrdreg s5  }
0xaa: {  	[dreg:$0x4] =	wrdreg $0xC0  }
0xab: {  	_ =	task [dreg:s7], $0x5FFFF  }
0xac: {  	[dreg:$0x1] =	wrdreg $0xFFFFFFFF  }
0xad: {  	[dreg:$0x0] =	wrdreg $0x60  }
0xae: {  	[dreg:$0x2] =	wrdreg s24  }
0xaf: {  	[dreg:$0x3] =	wrdreg s2  }
0xb0: {  	[dreg:$0x4] =	wrdreg $0x84800  }
0xb1: {  	[dreg:$0x5] =	wrdreg $0x9  }
0xb2: {  	_ =	task.clear_ibuf [dreg:s7], $0x6FFFF;
	_ =	strace $0x90000049  }
0xb3: {  	s29 =	simm.s32 $0x9;
	_ =	strace $0x8000004B  }
0xb4: {  	_ =	swait.ge [sflag:s29], $0x1  }
0xb5: {  	[sflag:s29] =	ssyncadd.s32 $0xFFFFFFFF  }
0xb6: {  	_ =	strace $0x9000004B  }
0xb7: {  	_ =	sfence  }
0xb8: {  	s30 =	sld [smem:$0x0];
	_ =	sdelay $0x2  }
0xb9: {  	s31 =	sshll.u32 s1, $0xD;
	s1 =	sshrl.u32 s1, $0x2  }
0xba: {  	s3 =	sand.u32 $0x4000, s31;
	s1 =	sadd.s32 s1, s30  }
0xbb: {  	s0 =	sor.u32 s3, s0;
	s1 =	sshll.u32 s1, $0x11  }
0xbc: {  	s0 =	sor.u32 s1, s0  }
0xbd: {  	s0 =	sadd.s32 $0x8F2B, s0  }
0xbe: {  	[sflag:s0] =	ssyncadd.remote.s32 $0x1  }
0xbf: {  	_ =	sfence.sel $0xFFFF  }
0xc0: {  	[dreg:$0x0] =	wrdreg $0xFFFFFFFF;
	(pc) =	sbr.abs _section_cstart, $3  }
0xc1: {  	[dreg:$0x1] =	wrdreg $0xFFFFFFFF  }
0xc2: {  	_ =	task.clear_ibuf [dreg:s7], $0x2FFFF;
	_ =	strace $0x9FFFFFFF  }
0xc3: {  	(tm) =	ssettm $0x7FFFFFFF  }
tec
execute0_lowered:
.L_overlay_start_1:
0x0: {  	(tag) =	ssettag $0x1  }
0x1: {  	s0 =	rddreg [dreg:$0x0]  }
0x2: {  	s1 =	rddreg [dreg:$0x1]  }
0x3: {  	s2 =	srdreg.scid;
	s3 =	simm.s32 $0x0;
	s8 =	stileid.u32  }
0x4: {  	s11 =	simm.s32 $0x9;
	s12 =	simm.s32 $0x400;
	s13 =	simm.s32 $0x40  }
0x5: {  	s14 =	simm.s32 $0x480;
	s15 =	simm.s32 $0x2480;
	s16 =	simm.s32 $0x4480  }
0x6: {  	s17 =	simm.s32 $0x6480;
	s26 =	simm.s32 $0x80;
	s28 =	simm.s32 $0x280  }
0x7: {  	s29 =	simm.s32 $0x3;
	s30 =	simm.s32 $0x300;
	[dreg:$0x4] =	wrdreg s1  }
0x8: {  	s31 =	simm.s32 $0x4;
	s1 =	rddreg [dreg:$0x2];
	s2 =	sand.u32 $0x1, s2  }
0x9: {  	[smem:$0x7FF] =	sst s3;
	s6 =	smul.u32 $0x14000, s8;
	s4 =	sadd.s32 $0x72400, s0  }
0xa: {  	s7 =	sadd.s32 $0x5E400, s0;
	s18 =	sadd.s32 $0x51C00, s0;
	s19 =	sadd.s32 $0x54400, s0  }
0xb: {  	s21 =	smul.u32 $0x50000, s8;
	_ =	strace $0x8000004A;
	[dreg:$0x5] =	wrdreg s7  }
0xc: {  	s24 =	sshll.u32 s8, $0x6;
	s5 =	smul.u32 $0x140000, s2;
	[dreg:$0x8] =	wrdreg s18  }
0xd: {  	[dreg:$0x9] =	wrdreg s19;
	s20 =	sshll.u32 s2, $0x4;
	s2 =	ssub.s32 $0x2, s2  }
0xe: {  	s7 =	sor.u32 $0x1C09, s24;
	s18 =	simm.s32 $0x5;
	s19 =	simm.s32 $0x6  }
0xf: {  	[dreg:$0x7] =	wrdreg s26;
	s24 =	simm.s32 $0x200;
	s26 =	simm.s32 $0x2  }
0x10: {  	s22 =	sshrl.u32 s2, $0x1;
	s23 =	sshrl.u32 s21, $0x2;
	s21 =	simm.s32 $0x100  }
0x11: {  	[dreg:$0xa] =	wrdreg s7;
	s5 =	sadd.s32 s6, s5;
	s6 =	sor.u32 s8, s20  }
0x12: {  	s2 =	ssub.s32 s2, s22;
	s20 =	simm.s32 $0x7;
	s22 =	simm.s32 $0x8  }
0x13: {  	s5 =	sshrl.u32 s5, $0x3;
	s6 =	smul.u32 $0x5000, s6;
	s25 =	smax.u32 s2, $0x1  }
0x14: {  	s2 =	simm.s32 $0x0;
	s0 =	sadd.s32 s5, s0;
	[dreg:$0xc] =	wrdreg s25  }
0x15: {  	s5 =	sadd.s32 s23, s1;
	[dreg:$0x6] =	wrdreg s6;
	s0 =	sadd.s32 $0x9A400, s0  }
0x16: {  	s23 =	simm.s32 $0x180;
	s6 =	sshrl.u32 s5, $0x3;
	[dreg:$0xb] =	wrdreg s0  }
0x17: {  	s25 =	simm.s32 $0x1;
	s0 =	simm.s32 $0x380;
	[dreg:$0xd] =	wrdreg s6  }
.LBB2_1:
0x18: {  	s5 =	rddreg [dreg:$0x8]  }
0x19: {  	[spmem:s6], [sflag:s7] =	dma.local [hbm:s5], $0x2800  }
0x1a: {  	_ =	swait.ge [sflag:s11], $0x2800  }
0x1b: {  	[sflag:s11] =	ssyncset.done $0x0  }
0x1c: {  	[sflag:s11] =	ssyncadd.s32 $0xFFFFD800  }
0x1d: {  	[bflag:$0x0] =	sbarrier.arrive $0xFFFF  }
0x1e: {  	s7 =	rddreg [dreg:$0x9]  }
0x1f: {  	[tilespmem:s12], [sflag:$0x9] =	stream.linear.gather [hbm4b:s7+s3], $0x80, $0x38;
	[tilespmem:$0x1C480] =	vst v63  }
0x20: {  	_ =	swait.ge [sflag:s11], $0x80  }
0x21: {  	[sflag:s11] =	ssyncset.done $0x0  }
0x22: {  	s9 =	sand.u32 $0x7C00, s3;
	s8 =	rddreg [dreg:$0x6];
	[sflag:s11] =	ssyncadd.s32 $0xFFFFFF80  }
0x23: {  	[spmem:s1] =	stream.indirect.scatter.add.f32 [tilespmem:s14], [sflag:$0x5], $0x80, s12, s13, $0xb8;
	[tilespmem:$0x1C480] =	vst v63  }
0x24: {  	s10 =	sand.u32 $0x200, s3;
	s5 =	sadd.s32 s8, s9  }
0x25: {  	[spmem:s1] =	stream.indirect.scatter.add.f32 [tilespmem:s15], [sflag:$0x6], $0x80, s12, s13, $0xb8;
	[tilespmem:$0x1C480] =	vst v63  }
0x26: {  	s5 =	sor.u32 s10, s5  }
0x27: {  	[spmem:s1] =	stream.indirect.scatter.add.f32 [tilespmem:s16], [sflag:$0x7], $0x80, s12, s13, $0xb8;
	[tilespmem:$0x1C480] =	vst v63  }
0x28: {  	s8 =	rddreg [dreg:$0x4];
	s5 =	sshrl.u32 s5, $0x3  }
0x29: {  	[spmem:s1] =	stream.indirect.scatter.add.f32 [tilespmem:s17], [sflag:$0x8], $0x80, s12, s13, $0xb8;
	[tilespmem:$0x1C480] =	vst v63  }
0x2a: {  	s6 =	sadd.s32 s8, s5  }
0x2b: {  	[tilespmem:s3], [sflag:$0x9] =	stream.linear.gather [hbm4b:s6+s3], $0x200, $0x38;
	[tilespmem:$0x1C480] =	vst v63  }
0x2c: {  	_ =	swait.ge [sflag:s11], $0x200  }
0x2d: {  	[sflag:s11] =	ssyncset.done $0x0  }
0x2e: {  	[sflag:s11] =	ssyncadd.s32 $0xFFFFFE00  }
0x2f: {  	_ =	swait.ge [sflag:s18], $0x2000  }
0x30: {  	[sflag:s18] =	ssyncset.done $0x0  }
0x31: {  	[sflag:s18] =	ssyncadd.s32 $0xFFFFE000  }
0x32: {  	[tilespmem:s14], [sflag:$0x1] =	stream.indirect.gather [hbm4b:s4+s13], $0x80, s3, s13, $0xb8;
	[tilespmem:$0x1C480] =	vst v63  }
0x33: {  	_ =	swait.ge [sflag:s19], $0x2000  }
0x34: {  	[sflag:s19] =	ssyncset.done $0x0  }
0x35: {  	s9 =	rddreg [dreg:$0x7];
	[sflag:s19] =	ssyncadd.s32 $0xFFFFE000  }
0x36: {  	[tilespmem:s15], [sflag:$0x2] =	stream.indirect.gather [hbm4b:s4+s13], $0x80, s9, s13, $0xb8;
	[tilespmem:$0x1C480] =	vst v63  }
0x37: {  	_ =	swait.ge [sflag:s20], $0x2000  }
0x38: {  	[sflag:s20] =	ssyncset.done $0x0  }
0x39: {  	[sflag:s20] =	ssyncadd.s32 $0xFFFFE000  }
0x3a: {  	[tilespmem:s16], [sflag:$0x3] =	stream.indirect.gather [hbm4b:s4+s13], $0x80, s21, s13, $0xb8;
	[tilespmem:$0x1C480] =	vst v63  }
0x3b: {  	_ =	swait.ge [sflag:s22], $0x2000  }
0x3c: {  	[sflag:s22] =	ssyncset.done $0x0  }
0x3d: {  	s10 =	rddreg [dreg:$0x5];
	[sflag:s22] =	ssyncadd.s32 $0xFFFFE000  }
0x3e: {  	[tilespmem:s17], [sflag:$0x4] =	stream.indirect.gather [hbm4b:s4+s13], $0x80, s23, s13, $0xb8;
	[tilespmem:$0x1C480] =	vst v63  }
0x3f: {  	s5 =	sadd.s32 s10, s5  }
0x40: {  	[tilespmem:s24], [sflag:$0x9] =	stream.linear.gather [hbm4b:s5+s3], $0x200, $0x38;
	[tilespmem:$0x1C480] =	vst v63  }
0x41: {  	_ =	swait.ge [sflag:s11], $0x200  }
0x42: {  	[sflag:s11] =	ssyncset.done $0x0  }
0x43: {  	[sflag:s11] =	ssyncadd.s32 $0xFFFFFE00  }
0x44: {  	_ =	swait.ge [sflag:s25], $0x2000  }
0x45: {  	[sflag:s25] =	ssyncset.done $0x0  }
0x46: {  	[sflag:s25] =	ssyncadd.s32 $0xFFFFE000  }
0x47: {  	[spmem:s1] =	stream.indirect.scatter.add.f32 [tilespmem:s14], [sflag:$0x5], $0x80, s24, s13, $0xb8;
	[tilespmem:$0x1C480] =	vst v63  }
0x48: {  	_ =	swait.ge [sflag:s26], $0x2000  }
0x49: {  	[sflag:s26] =	ssyncset.done $0x0  }
0x4a: {  	[sflag:s26] =	ssyncadd.s32 $0xFFFFE000  }
0x4b: {  	[spmem:s1] =	stream.indirect.scatter.add.f32 [tilespmem:s15], [sflag:$0x6], $0x80, s28, s13, $0xb8;
	[tilespmem:$0x1C480] =	vst v63  }
0x4c: {  	_ =	swait.ge [sflag:s29], $0x2000  }
0x4d: {  	[sflag:s29] =	ssyncset.done $0x0  }
0x4e: {  	[sflag:s29] =	ssyncadd.s32 $0xFFFFE000  }
0x4f: {  	[spmem:s1] =	stream.indirect.scatter.add.f32 [tilespmem:s16], [sflag:$0x7], $0x80, s30, s13, $0xb8;
	[tilespmem:$0x1C480] =	vst v63  }
0x50: {  	s8 =	simm.s32 $0x200;
	_ =	swait.ge [sflag:s31], $0x2000  }
0x51: {  	s6 =	simm.s32 $0x400;
	s9 =	sand.u32 $0x200, s8;
	[sflag:s31] =	ssyncset.done $0x0  }
0x52: {  	s5 =	sand.u32 $0x7C00, s8;
	s7 =	rddreg [dreg:$0x6];
	[sflag:s31] =	ssyncadd.s32 $0xFFFFE000  }
.LBB2_2:
0x53: {  	[spmem:s1] =	stream.indirect.scatter.add.f32 [tilespmem:s17], [sflag:$0x8], $0x80, s0, s13, $0xb8;
	[tilespmem:$0x1C480] =	vst v63  }
0x54: {  	s7 =	sadd.s32 s7, s5  }
0x55: {  	s7 =	sor.u32 s9, s7  }
0x56: {  	s10 =	rddreg [dreg:$0x4];
	s7 =	sshrl.u32 s7, $0x3  }
0x57: {  	s10 =	sadd.s32 s10, s7  }
0x58: {  	[tilespmem:s3], [sflag:$0x9] =	stream.linear.gather [hbm4b:s10+s3], $0x200, $0x38;
	[tilespmem:$0x1C480] =	vst v63  }
0x59: {  	_ =	swait.ge [sflag:s11], $0x200  }
0x5a: {  	[sflag:s11] =	ssyncset.done $0x0  }
0x5b: {  	[sflag:s11] =	ssyncadd.s32 $0xFFFFFE00  }
0x5c: {  	_ =	swait.ge [sflag:s18], $0x2000  }
0x5d: {  	[sflag:s18] =	ssyncset.done $0x0  }
0x5e: {  	[sflag:s18] =	ssyncadd.s32 $0xFFFFE000  }
0x5f: {  	[tilespmem:s14], [sflag:$0x1] =	stream.indirect.gather [hbm4b:s4+s13], $0x80, s3, s13, $0xb8;
	[tilespmem:$0x1C480] =	vst v63  }
0x60: {  	_ =	swait.ge [sflag:s19], $0x2000  }
0x61: {  	[sflag:s19] =	ssyncset.done $0x0  }
0x62: {  	s10 =	rddreg [dreg:$0x7];
	[sflag:s19] =	ssyncadd.s32 $0xFFFFE000  }
0x63: {  	[tilespmem:s15], [sflag:$0x2] =	stream.indirect.gather [hbm4b:s4+s13], $0x80, s10, s13, $0xb8;
	[tilespmem:$0x1C480] =	vst v63  }
0x64: {  	_ =	swait.ge [sflag:s20], $0x2000  }
0x65: {  	[sflag:s20] =	ssyncset.done $0x0  }
0x66: {  	[sflag:s20] =	ssyncadd.s32 $0xFFFFE000  }
0x67: {  	[tilespmem:s16], [sflag:$0x3] =	stream.indirect.gather [hbm4b:s4+s13], $0x80, s21, s13, $0xb8;
	[tilespmem:$0x1C480] =	vst v63  }
0x68: {  	_ =	swait.ge [sflag:s22], $0x2000  }
0x69: {  	[sflag:s22] =	ssyncset.done $0x0  }
0x6a: {  	s10 =	rddreg [dreg:$0x5];
	[sflag:s22] =	ssyncadd.s32 $0xFFFFE000  }
0x6b: {  	[tilespmem:s17], [sflag:$0x4] =	stream.indirect.gather [hbm4b:s4+s13], $0x80, s23, s13, $0xb8;
	[tilespmem:$0x1C480] =	vst v63  }
0x6c: {  	s7 =	sadd.s32 s10, s7  }
0x6d: {  	[tilespmem:s24], [sflag:$0x9] =	stream.linear.gather [hbm4b:s7+s3], $0x200, $0x38;
	[tilespmem:$0x1C480] =	vst v63  }
0x6e: {  	_ =	swait.ge [sflag:s11], $0x200  }
0x6f: {  	[sflag:s11] =	ssyncset.done $0x0  }
0x70: {  	[sflag:s11] =	ssyncadd.s32 $0xFFFFFE00  }
0x71: {  	_ =	swait.ge [sflag:s25], $0x2000  }
0x72: {  	[sflag:s25] =	ssyncset.done $0x0  }
0x73: {  	[sflag:s25] =	ssyncadd.s32 $0xFFFFE000  }
0x74: {  	[spmem:s1] =	stream.indirect.scatter.add.f32 [tilespmem:s14], [sflag:$0x5], $0x80, s24, s13, $0xb8;
	[tilespmem:$0x1C480] =	vst v63  }
0x75: {  	_ =	swait.ge [sflag:s26], $0x2000  }
0x76: {  	[sflag:s26] =	ssyncset.done $0x0  }
0x77: {  	[sflag:s26] =	ssyncadd.s32 $0xFFFFE000  }
0x78: {  	[spmem:s1] =	stream.indirect.scatter.add.f32 [tilespmem:s15], [sflag:$0x6], $0x80, s28, s13, $0xb8;
	[tilespmem:$0x1C480] =	vst v63  }
0x79: {  	_ =	swait.ge [sflag:s29], $0x2000  }
0x7a: {  	p0 =	sne.s32 s6, $0x4E00;
	[sflag:s29] =	ssyncset.done $0x0  }
.Ltmp0:
0x7b: {  	[sflag:s29] =	ssyncadd.s32 $0xFFFFE000;
	(pc) =	sbr.rel @p0 .LBB2_2-.Ltmp0, $4  }
0x7c: {  	[spmem:s1] =	stream.indirect.scatter.add.f32 [tilespmem:s16], [sflag:$0x7], $0x80, s30, s13, $0xb8;
	[tilespmem:$0x1C480] =	vst v63  }
0x7d: {  	s8 =	smov.u32 s6;
	_ =	swait.ge [sflag:s31], $0x2000  }
0x7e: {  	s5 =	sand.u32 $0x7C00, s6;
	s6 =	sadd.s32 $0x200, s6;
	[sflag:s31] =	ssyncset.done $0x0  }
0x7f: {  	s9 =	sand.u32 $0x200, s8;
	s7 =	rddreg [dreg:$0x6];
	[sflag:s31] =	ssyncadd.s32 $0xFFFFE000  }
0x80: {  	s5 =	sadd.s32 s7, s5  }
0x81: {  	[spmem:s1] =	stream.indirect.scatter.add.f32 [tilespmem:s17], [sflag:$0x8], $0x80, s0, s13, $0xb8;
	[tilespmem:$0x1C480] =	vst v63  }
0x82: {  	s5 =	sor.u32 s9, s5  }
0x83: {  	s6 =	rddreg [dreg:$0x4];
	s5 =	sshrl.u32 s5, $0x3  }
0x84: {  	s6 =	sadd.s32 s6, s5  }
0x85: {  	[tilespmem:s3], [sflag:$0x9] =	stream.linear.gather [hbm4b:s6+s3], $0x200, $0x38;
	[tilespmem:$0x1C480] =	vst v63  }
0x86: {  	_ =	swait.ge [sflag:s11], $0x200  }
0x87: {  	[sflag:s11] =	ssyncset.done $0x0  }
0x88: {  	[sflag:s11] =	ssyncadd.s32 $0xFFFFFE00  }
0x89: {  	_ =	swait.ge [sflag:s18], $0x2000  }
0x8a: {  	[sflag:s18] =	ssyncset.done $0x0  }
0x8b: {  	[sflag:s18] =	ssyncadd.s32 $0xFFFFE000  }
0x8c: {  	[tilespmem:s14], [sflag:$0x1] =	stream.indirect.gather [hbm4b:s4+s13], $0x80, s3, s13, $0xb8;
	[tilespmem:$0x1C480] =	vst v63  }
0x8d: {  	_ =	swait.ge [sflag:s19], $0x2000  }
0x8e: {  	[sflag:s19] =	ssyncset.done $0x0  }
0x8f: {  	s7 =	rddreg [dreg:$0x7];
	[sflag:s19] =	ssyncadd.s32 $0xFFFFE000  }
0x90: {  	[tilespmem:s15], [sflag:$0x2] =	stream.indirect.gather [hbm4b:s4+s13], $0x80, s7, s13, $0xb8;
	[tilespmem:$0x1C480] =	vst v63  }
0x91: {  	_ =	swait.ge [sflag:s20], $0x2000  }
0x92: {  	[sflag:s20] =	ssyncset.done $0x0  }
0x93: {  	[sflag:s20] =	ssyncadd.s32 $0xFFFFE000  }
0x94: {  	[tilespmem:s16], [sflag:$0x3] =	stream.indirect.gather [hbm4b:s4+s13], $0x80, s21, s13, $0xb8;
	[tilespmem:$0x1C480] =	vst v63  }
0x95: {  	_ =	swait.ge [sflag:s22], $0x2000  }
0x96: {  	[sflag:s22] =	ssyncset.done $0x0  }
0x97: {  	s8 =	rddreg [dreg:$0x5];
	[sflag:s22] =	ssyncadd.s32 $0xFFFFE000  }
0x98: {  	[tilespmem:s17], [sflag:$0x4] =	stream.indirect.gather [hbm4b:s4+s13], $0x80, s23, s13, $0xb8;
	[tilespmem:$0x1C480] =	vst v63  }
0x99: {  	s5 =	sadd.s32 s8, s5  }
0x9a: {  	[tilespmem:s24], [sflag:$0x9] =	stream.linear.gather [hbm4b:s5+s3], $0x200, $0x38;
	[tilespmem:$0x1C480] =	vst v63  }
0x9b: {  	_ =	swait.ge [sflag:s11], $0x200  }
0x9c: {  	[sflag:s11] =	ssyncset.done $0x0  }
0x9d: {  	[sflag:s11] =	ssyncadd.s32 $0xFFFFFE00  }
0x9e: {  	_ =	swait.ge [sflag:s25], $0x2000  }
0x9f: {  	[sflag:s25] =	ssyncset.done $0x0  }
0xa0: {  	[sflag:s25] =	ssyncadd.s32 $0xFFFFE000  }
0xa1: {  	[spmem:s1] =	stream.indirect.scatter.add.f32 [tilespmem:s14], [sflag:$0x5], $0x80, s24, s13, $0xb8;
	[tilespmem:$0x1C480] =	vst v63  }
0xa2: {  	_ =	swait.ge [sflag:s26], $0x2000  }
0xa3: {  	[sflag:s26] =	ssyncset.done $0x0  }
0xa4: {  	[sflag:s26] =	ssyncadd.s32 $0xFFFFE000  }
0xa5: {  	[spmem:s1] =	stream.indirect.scatter.add.f32 [tilespmem:s15], [sflag:$0x6], $0x80, s28, s13, $0xb8;
	[tilespmem:$0x1C480] =	vst v63  }
0xa6: {  	_ =	swait.ge [sflag:s29], $0x2000  }
0xa7: {  	[sflag:s29] =	ssyncset.done $0x0  }
0xa8: {  	[sflag:s29] =	ssyncadd.s32 $0xFFFFE000  }
0xa9: {  	[spmem:s1] =	stream.indirect.scatter.add.f32 [tilespmem:s16], [sflag:$0x7], $0x80, s30, s13, $0xb8;
	[tilespmem:$0x1C480] =	vst v63  }
0xaa: {  	_ =	swait.ge [sflag:s31], $0x2000  }
0xab: {  	[sflag:s31] =	ssyncset.done $0x0  }
0xac: {  	[sflag:s31] =	ssyncadd.s32 $0xFFFFE000  }
0xad: {  	[spmem:s1] =	stream.indirect.scatter.add.f32 [tilespmem:s17], [sflag:$0x8], $0x80, s0, s13, $0xb8;
	[tilespmem:$0x1C480] =	vst v63  }
0xae: {  	_ =	swait.ge [sflag:s18], $0x2000  }
0xaf: {  	[sflag:s18] =	ssyncset.done $0x0  }
0xb0: {  	[sflag:s18] =	ssyncadd.s32 $0xFFFFE000  }
0xb1: {  	_ =	swait.ge [sflag:s19], $0x2000  }
0xb2: {  	[sflag:s19] =	ssyncset.done $0x0  }
0xb3: {  	[sflag:s19] =	ssyncadd.s32 $0xFFFFE000  }
0xb4: {  	_ =	swait.ge [sflag:s20], $0x2000  }
0xb5: {  	[sflag:s20] =	ssyncset.done $0x0  }
0xb6: {  	[sflag:s20] =	ssyncadd.s32 $0xFFFFE000  }
0xb7: {  	_ =	swait.ge [sflag:s22], $0x2000  }
0xb8: {  	[sflag:s22] =	ssyncset.done $0x0  }
0xb9: {  	[sflag:s22] =	ssyncadd.s32 $0xFFFFE000  }
0xba: {  	[bflag:$0x0] =	sbarrier.arrive $0xFFFF  }
0xbb: {  	s7 =	rddreg [dreg:$0xa]  }
0xbc: {  	s9 =	rddreg [dreg:$0xb]  }
0xbd: {  	s6 =	rddreg [dreg:$0xd]  }
0xbe: {  	[hbm:s9], [sflag:s7] =	dma.local [spmem:s6], $0x2800  }
0xbf: {  	_ =	swait.ge [sflag:s11], $0x2800  }
0xc0: {  	s2 =	sadd.s32 $0x1, s2;
	s10 =	rddreg [dreg:$0xc]  }
0xc1: {  	p0 =	sne.s32 s2, s10  }
.Ltmp1:
0xc2: {  	_ = 	snop;
	(pc) =	sbr.rel @p0 .LBB2_1-.Ltmp1, $3  }
0xc3: {  	_ =	sdelay $0x1  }
0xc4: {  	[sflag:s11] =	ssyncset.done $0x0  }
0xc5: {  	[sflag:s11] =	ssyncadd.s32 $0xFFFFD800  }
0xc6: {  	_ =	sfence.sel $0x180000  }
0xc7: {  	[bflag:$0x0] =	sbarrier.arrive $0xFFFF  }
0xc8: {  	_ =	strace $0x9000004A  }
0xc9: {  	s0 =	stileid.u32;
	[bflag:$0x2] =	sbarrier.arrive $0xFFFF  }
0xca: {  	p0 =	sne.s32 s0, $0x0;
	s0 =	rddreg [dreg:$0x3]  }
0xcb: {  	s0 =	sadd.s32 @!p0 $0x100000, s0  }
0xcc: {  	[sflag:s0] =	ssyncadd.tile.s32 @!p0 $0x1;
	_ =	shalt  }
.Lfunc_end2:
_tile_overlayer_lowered:
.L_overlay_start_2:
0xcd: {  	(tag) =	ssettag $0x2  }
0xce: {  	s0 =	rddreg [dreg:$0x0];
	s2 =	stileid.u32  }
0xcf: {  	s1 =	rddreg [dreg:$0x1];
	p0 =	sne.s32 s2, $0x0  }
0xd0: {  	s3 =	rddreg [dreg:$0x2];
	[bflag:$0x3] =	sbarrier.arrive $0xFFFF;
	s2 =	simm.s32 @!p0 $0x1C09  }
0xd1: {  	[timem:s3], [sflag:s2] =	dma.local @!p0 [hbm:s0], s1  }
0xd2: {  	s0 =	simm.s32 @!p0 $0x9  }
0xd3: {  	_ =	swait.ge @!p0 [sflag:s0], s1  }
0xd4: {  	s1 =	ssub.s32 @!p0 $0x0, s1;
	[sflag:s0] =	ssyncset.done @!p0 $0x0  }
0xd5: {  	[sflag:s0] =	ssyncadd.s32 @!p0 s1  }
0xd6: {  	[bflag:$0x3] =	sbarrier.arrive $0xFFFF  }
0xd7: {  	_ =	shalt  }

</sc_bundles>
